<compile_context>
chip_gen: v7x
topology: tpu7x:2x2x1
jax: 0.10.2.dev20260603
libtpu: 0.0.44.dev20260713+nightly
codegen_flags: <defaults>
</compile_context>

<pallas_src>
import functools

import jax
import jax.numpy as jnp
from jax import lax
from jax.experimental import pallas as pl
from jax.experimental.pallas import tpu as pltpu
from jax.experimental.pallas import tpu_sc as plsc

EMBED_DIM = 64
COMMITMENT_COST = 0.25
ROW_BLOCK = 512

_NUM_CORES = 2
_NUM_SUBCORES = 16
_NUM_WORKERS = _NUM_CORES * _NUM_SUBCORES
_GATHER_CHUNK = 96


LANES = 128
CODE_BLOCK = 512


def _argmin_body(n_row_blocks, n_codes,
                 z_ref, embt_ref, idx_ref, loss_ref, esq_ref):
    i = pl.program_id(0)
    n_code_blocks = n_codes // CODE_BLOCK
    n_sub = CODE_BLOCK // LANES

    @pl.when(i == 0)
    def _():
        loss_ref[0, 0] = 0.0
        for j in range(n_code_blocks):
            embt_j = embt_ref[:, j * CODE_BLOCK:(j + 1) * CODE_BLOCK]
            esq_ref[0, j * CODE_BLOCK:(j + 1) * CODE_BLOCK] = (
                0.5 * jnp.sum(embt_j * embt_j, axis=0))

    z = z_ref[...]
    v = jnp.full((ROW_BLOCK, LANES), jnp.inf, jnp.float32)
    g = jnp.zeros((ROW_BLOCK, LANES), jnp.int32)
    for j in range(n_code_blocks):
        embt_j = embt_ref[:, j * CODE_BLOCK:(j + 1) * CODE_BLOCK]
        prod = lax.dot_general(
            z, embt_j, (((1,), (0,)), ((), ())),
            preferred_element_type=jnp.float32,
        )
        esq_j = esq_ref[0, j * CODE_BLOCK:(j + 1) * CODE_BLOCK]
        for c in range(n_sub):
            s = (esq_j[None, c * LANES:(c + 1) * LANES]
                 - prod[:, c * LANES:(c + 1) * LANES])
            better = s < v
            v = jnp.where(better, s, v)
            g = jnp.where(better, j * n_sub + c, g)

    lane = lax.broadcasted_iota(jnp.int32, (ROW_BLOCK, LANES), 1)
    vidx = g * LANES + lane
    minv = jnp.min(v, axis=1)
    idx = jnp.min(jnp.where(v == minv[:, None], vidx, n_codes), axis=1)
    idx_ref[0, 0, :] = idx
    z_sq = jnp.sum(z * z, axis=1)
    loss_ref[0, 0] += jnp.sum(z_sq + 2.0 * minv)

    @pl.when(i == n_row_blocks - 1)
    def _():
        loss_ref[0, 0] *= COMMITMENT_COST / (n_row_blocks * ROW_BLOCK * EMBED_DIM)


def _tc_argmin(flat_z, embedding):
    n_tokens = flat_z.shape[0]
    n_codes = embedding.shape[0]
    n_row_blocks = n_tokens // ROW_BLOCK
    idx3, loss = pl.pallas_call(
        functools.partial(_argmin_body, n_row_blocks, n_codes),
        grid=(n_row_blocks,),
        in_specs=[
            pl.BlockSpec((ROW_BLOCK, EMBED_DIM), lambda i: (i, 0)),
            pl.BlockSpec((EMBED_DIM, n_codes), lambda i: (0, 0)),
        ],
        out_specs=[
            pl.BlockSpec((1, 1, ROW_BLOCK), lambda i: (i, 0, 0)),
            pl.BlockSpec(memory_space=pltpu.SMEM),
        ],
        out_shape=[
            jax.ShapeDtypeStruct((n_row_blocks, 1, ROW_BLOCK), jnp.int32),
            jax.ShapeDtypeStruct((1, 1), jnp.float32),
        ],
        scratch_shapes=[
            pltpu.VMEM((1, n_codes), jnp.float32),
        ],
    )(flat_z, embedding.T)
    return idx3.reshape(n_tokens), loss[0, 0]


def _sc_gather(indices, table_padded):
    n_tokens = indices.shape[0]
    width = table_padded.shape[1]
    per_worker = n_tokens // _NUM_WORKERS
    n_chunks = per_worker // _GATHER_CHUNK
    mesh = plsc.VectorSubcoreMesh(core_axis_name="c", subcore_axis_name="s")

    @functools.partial(
        pl.kernel,
        mesh=mesh,
        out_type=jax.ShapeDtypeStruct((n_tokens, width), jnp.float32),
        scratch_types=[
            pltpu.VMEM((per_worker,), jnp.int32),
            pltpu.VMEM((per_worker, width), jnp.float32),
            pltpu.SemaphoreType.DMA,
        ],
    )
    def gather(idx_hbm, table_hbm, out_hbm, idx_v, rows_v, sem):
        wid = lax.axis_index("s") * _NUM_CORES + lax.axis_index("c")
        base = wid * per_worker
        pltpu.sync_copy(idx_hbm.at[pl.ds(base, per_worker)], idx_v)
        copies = [
            pltpu.async_copy(
                table_hbm.at[idx_v.at[pl.ds(j * _GATHER_CHUNK, _GATHER_CHUNK)]],
                rows_v.at[pl.ds(j * _GATHER_CHUNK, _GATHER_CHUNK)],
                sem)
            for j in range(n_chunks)
        ]
        for c in copies:
            c.wait()
        pltpu.sync_copy(rows_v, out_hbm.at[pl.ds(base, per_worker)])

    return gather(indices, table_padded)


def kernel(z, embedding):
    flat_z = z.reshape(-1, EMBED_DIM)
    indices, loss = _tc_argmin(flat_z, embedding)
    table_padded = jnp.pad(embedding, ((0, 0), (0, 128 - EMBED_DIM)))
    z_q = _sc_gather(indices, table_padded)[:, :EMBED_DIM]
    return z_q.reshape(z.shape), loss, indices

# --- scband reference (transcript-rebuilt; emitter-appended) ---
"""Pipeline reference for scband-vector-quantizer-1821066134293 (READ-ONLY COPY).

The authoritative reference and input builder live on the scoring server;
editing this copy changes nothing except your own understanding.
"""

import jax, jax.numpy as jnp
import numpy as np

NUM_EMBEDDINGS = 8192
EMBEDDING_DIM = 64
COMMITMENT_COST = 0.25


def setup_inputs(seed: int = 0) -> dict:
    key = jax.random.key(seed)
    k1, k2 = jax.random.split(key)
    z = jax.random.normal(k1, (16, 576, EMBEDDING_DIM), dtype=jnp.float32)
    embedding = jax.random.normal(k2, (NUM_EMBEDDINGS, EMBEDDING_DIM), dtype=jnp.float32)
    return {"z": z, "embedding": embedding}


def reference(z, embedding):
    # eval-mode forward (no EMA buffer updates)
    flat_z = z.reshape(-1, EMBEDDING_DIM)
    distances = (
        jnp.sum(flat_z ** 2, axis=1, keepdims=True)
        + jnp.sum(embedding ** 2, axis=1)
        - 2.0 * jnp.matmul(flat_z, embedding.T)
    )
    indices = jnp.argmin(distances, axis=1)
    encodings = jax.nn.one_hot(indices, NUM_EMBEDDINGS, dtype=flat_z.dtype)
    z_q = jnp.matmul(encodings, embedding)
    loss = COMMITMENT_COST * jnp.mean((jax.lax.stop_gradient(z_q) - flat_z) ** 2)
    z_q = flat_z + jax.lax.stop_gradient(z_q - flat_z)
    z_q = z_q.reshape(z.shape)
    return (z_q, loss, indices)

if __name__ == "__main__":
    import jax
    _d = setup_inputs()
    print(jax.jit(kernel)(*tuple(_d.values())))

</pallas_src>

<mosaic_0001>
#map = affine_map<(d0, d1) -> (0)>
#map1 = affine_map<(d0, d1) -> (0, 0)>
module attributes {stable_mosaic.version = 14 : i64} {
  func.func @gather(%arg0: i32, %arg1: i32, %arg2: memref<9216xi32, #tpu.memory_space<hbm>>, %arg3: memref<8192x128xf32, #tpu.memory_space<hbm>>, %arg4: memref<9216x128xf32, #tpu.memory_space<hbm>>, %arg5: memref<288xi32, #tpu.memory_space<vmem>>, %arg6: memref<288x128xf32, #tpu.memory_space<vmem>>, %arg7: memref<!tpu.dma_semaphore, #tpu.memory_space<semaphore_mem>>) attributes {dimension_semantics = [#tpu.dimension_semantics<core_parallel>, #tpu.dimension_semantics<subcore_parallel>], iteration_bounds = array<i64: 2, 16>, scalar_prefetch = 0 : i64, scratch_operands = 3 : i64, tpu.core_type = #tpu.core_type<sc_vector_subcore>, window_params = [{transform_indices = #map}, {transform_indices = #map1}, {transform_indices = #map1}]} {
    %mul3A = arith.constant 2 : i32
    %mul3A_0 = arith.muli %arg1, %mul3A : i32
    %add3A = arith.addi %mul3A_0, %arg0 : i32
    %mul3A_1 = arith.constant 288 : i32
    %mul3A_2 = arith.muli %add3A, %mul3A_1 : i32
    "tpu.region"() ({
      %run_scoped3A = tpu.sem_alloc : memref<!tpu.dma_semaphore, #tpu.memory_space<semaphore_mem>>
      %dma_start3A_49 = tpu.memref_slice %arg2[%mul3A_2] : memref<9216xi32, #tpu.memory_space<hbm>> -> memref<288xi32, #tpu.memory_space<hbm>>
      %dma_start3A_50 = tpu.memref_slice %arg2[%mul3A_2] : memref<9216xi32, #tpu.memory_space<hbm>> -> memref<288xi32, #tpu.memory_space<hbm>>
      tpu.enqueue_dma source(%dma_start3A_50 : memref<288xi32, #tpu.memory_space<hbm>>) target(%arg5 : memref<288xi32, #tpu.memory_space<vmem>>) target_semaphore(%run_scoped3A : memref<!tpu.dma_semaphore, #tpu.memory_space<semaphore_mem>>)
      %dma_wait3A_51 = tpu.memref_slice %arg2[%mul3A_2] : memref<9216xi32, #tpu.memory_space<hbm>> -> memref<288xi32, #tpu.memory_space<hbm>>
      %dma_wait3A_52 = tpu.memref_slice %arg2[%mul3A_2] : memref<9216xi32, #tpu.memory_space<hbm>> -> memref<288xi32, #tpu.memory_space<hbm>>
      tpu.wait_dma2 semaphore(%run_scoped3A : memref<!tpu.dma_semaphore, #tpu.memory_space<semaphore_mem>>) src(%dma_wait3A_52 : memref<288xi32, #tpu.memory_space<hbm>>) dst(%arg5 : memref<288xi32, #tpu.memory_space<vmem>>)
      tpu.yield
    }) : () -> ()
    %dma_start3A = arith.constant 0 : i32
    %dma_start3A_3 = arith.constant 0 : i32
    %dma_start3A_4 = tpu.memref_slice %arg6[%dma_start3A, %dma_start3A_3] : memref<288x128xf32, #tpu.memory_space<vmem>> -> memref<96x128xf32, #tpu.memory_space<vmem>>
    %dma_start3A_5 = arith.constant 0 : i32
    %dma_start3A_6 = tpu.memref_slice %arg5[%dma_start3A_5] : memref<288xi32, #tpu.memory_space<vmem>> -> memref<96xi32, #tpu.memory_space<vmem>>
    %dma_start3A_7 = arith.constant 0 : i32
    %dma_start3A_8 = arith.constant 0 : i32
    %dma_start3A_9 = tpu.memref_slice %arg3[%dma_start3A_7, %dma_start3A_8] : memref<8192x128xf32, #tpu.memory_space<hbm>> -> memref<8192x128xf32, #tpu.memory_space<hbm>>
    tpu.enqueue_indirect_dma source(%dma_start3A_9 : memref<8192x128xf32, #tpu.memory_space<hbm>>) target(%dma_start3A_4 : memref<96x128xf32, #tpu.memory_space<vmem>>) offsets(%dma_start3A_6 : memref<96xi32, #tpu.memory_space<vmem>>) semaphore(%arg7 : memref<!tpu.dma_semaphore, #tpu.memory_space<semaphore_mem>>)
    %dma_start3A_10 = arith.constant 96 : i32
    %dma_start3A_11 = arith.constant 0 : i32
    %dma_start3A_12 = tpu.memref_slice %arg6[%dma_start3A_10, %dma_start3A_11] : memref<288x128xf32, #tpu.memory_space<vmem>> -> memref<96x128xf32, #tpu.memory_space<vmem>>
    %dma_start3A_13 = arith.constant 96 : i32
    %dma_start3A_14 = tpu.memref_slice %arg5[%dma_start3A_13] : memref<288xi32, #tpu.memory_space<vmem>> -> memref<96xi32, #tpu.memory_space<vmem>>
    %dma_start3A_15 = arith.constant 0 : i32
    %dma_start3A_16 = arith.constant 0 : i32
    %dma_start3A_17 = tpu.memref_slice %arg3[%dma_start3A_15, %dma_start3A_16] : memref<8192x128xf32, #tpu.memory_space<hbm>> -> memref<8192x128xf32, #tpu.memory_space<hbm>>
    tpu.enqueue_indirect_dma source(%dma_start3A_17 : memref<8192x128xf32, #tpu.memory_space<hbm>>) target(%dma_start3A_12 : memref<96x128xf32, #tpu.memory_space<vmem>>) offsets(%dma_start3A_14 : memref<96xi32, #tpu.memory_space<vmem>>) semaphore(%arg7 : memref<!tpu.dma_semaphore, #tpu.memory_space<semaphore_mem>>)
    %dma_start3A_18 = arith.constant 192 : i32
    %dma_start3A_19 = arith.constant 0 : i32
    %dma_start3A_20 = tpu.memref_slice %arg6[%dma_start3A_18, %dma_start3A_19] : memref<288x128xf32, #tpu.memory_space<vmem>> -> memref<96x128xf32, #tpu.memory_space<vmem>>
    %dma_start3A_21 = arith.constant 192 : i32
    %dma_start3A_22 = tpu.memref_slice %arg5[%dma_start3A_21] : memref<288xi32, #tpu.memory_space<vmem>> -> memref<96xi32, #tpu.memory_space<vmem>>
    %dma_start3A_23 = arith.constant 0 : i32
    %dma_start3A_24 = arith.constant 0 : i32
    %dma_start3A_25 = tpu.memref_slice %arg3[%dma_start3A_23, %dma_start3A_24] : memref<8192x128xf32, #tpu.memory_space<hbm>> -> memref<8192x128xf32, #tpu.memory_space<hbm>>
    tpu.enqueue_indirect_dma source(%dma_start3A_25 : memref<8192x128xf32, #tpu.memory_space<hbm>>) target(%dma_start3A_20 : memref<96x128xf32, #tpu.memory_space<vmem>>) offsets(%dma_start3A_22 : memref<96xi32, #tpu.memory_space<vmem>>) semaphore(%arg7 : memref<!tpu.dma_semaphore, #tpu.memory_space<semaphore_mem>>)
    %dma_wait3A = arith.constant 0 : i32
    %dma_wait3A_26 = arith.constant 0 : i32
    %dma_wait3A_27 = tpu.memref_slice %arg6[%dma_wait3A, %dma_wait3A_26] : memref<288x128xf32, #tpu.memory_space<vmem>> -> memref<96x128xf32, #tpu.memory_space<vmem>>
    %dma_wait3A_28 = arith.constant 0 : i32
    %dma_wait3A_29 = tpu.memref_slice %arg5[%dma_wait3A_28] : memref<288xi32, #tpu.memory_space<vmem>> -> memref<96xi32, #tpu.memory_space<vmem>>
    %dma_wait3A_30 = arith.constant 0 : i32
    %dma_wait3A_31 = arith.constant 0 : i32
    %dma_wait3A_32 = tpu.memref_slice %arg3[%dma_wait3A_30, %dma_wait3A_31] : memref<8192x128xf32, #tpu.memory_space<hbm>> -> memref<8192x128xf32, #tpu.memory_space<hbm>>
    tpu.wait_indirect_dma semaphore(%arg7 : memref<!tpu.dma_semaphore, #tpu.memory_space<semaphore_mem>>) src(%dma_wait3A_32 : memref<8192x128xf32, #tpu.memory_space<hbm>>) dst(%dma_wait3A_27 : memref<96x128xf32, #tpu.memory_space<vmem>>)
    %dma_wait3A_33 = arith.constant 96 : i32
    %dma_wait3A_34 = arith.constant 0 : i32
    %dma_wait3A_35 = tpu.memref_slice %arg6[%dma_wait3A_33, %dma_wait3A_34] : memref<288x128xf32, #tpu.memory_space<vmem>> -> memref<96x128xf32, #tpu.memory_space<vmem>>
    %dma_wait3A_36 = arith.constant 96 : i32
    %dma_wait3A_37 = tpu.memref_slice %arg5[%dma_wait3A_36] : memref<288xi32, #tpu.memory_space<vmem>> -> memref<96xi32, #tpu.memory_space<vmem>>
    %dma_wait3A_38 = arith.constant 0 : i32
    %dma_wait3A_39 = arith.constant 0 : i32
    %dma_wait3A_40 = tpu.memref_slice %arg3[%dma_wait3A_38, %dma_wait3A_39] : memref<8192x128xf32, #tpu.memory_space<hbm>> -> memref<8192x128xf32, #tpu.memory_space<hbm>>
    tpu.wait_indirect_dma semaphore(%arg7 : memref<!tpu.dma_semaphore, #tpu.memory_space<semaphore_mem>>) src(%dma_wait3A_40 : memref<8192x128xf32, #tpu.memory_space<hbm>>) dst(%dma_wait3A_35 : memref<96x128xf32, #tpu.memory_space<vmem>>)
    %dma_wait3A_41 = arith.constant 192 : i32
    %dma_wait3A_42 = arith.constant 0 : i32
    %dma_wait3A_43 = tpu.memref_slice %arg6[%dma_wait3A_41, %dma_wait3A_42] : memref<288x128xf32, #tpu.memory_space<vmem>> -> memref<96x128xf32, #tpu.memory_space<vmem>>
    %dma_wait3A_44 = arith.constant 192 : i32
    %dma_wait3A_45 = tpu.memref_slice %arg5[%dma_wait3A_44] : memref<288xi32, #tpu.memory_space<vmem>> -> memref<96xi32, #tpu.memory_space<vmem>>
    %dma_wait3A_46 = arith.constant 0 : i32
    %dma_wait3A_47 = arith.constant 0 : i32
    %dma_wait3A_48 = tpu.memref_slice %arg3[%dma_wait3A_46, %dma_wait3A_47] : memref<8192x128xf32, #tpu.memory_space<hbm>> -> memref<8192x128xf32, #tpu.memory_space<hbm>>
    tpu.wait_indirect_dma semaphore(%arg7 : memref<!tpu.dma_semaphore, #tpu.memory_space<semaphore_mem>>) src(%dma_wait3A_48 : memref<8192x128xf32, #tpu.memory_space<hbm>>) dst(%dma_wait3A_43 : memref<96x128xf32, #tpu.memory_space<vmem>>)
    "tpu.region"() ({
      %run_scoped3A = tpu.sem_alloc : memref<!tpu.dma_semaphore, #tpu.memory_space<semaphore_mem>>
      %dma_start3A_49 = arith.constant 0 : i32
      %dma_start3A_50 = tpu.memref_slice %arg4[%mul3A_2, %dma_start3A_49] : memref<9216x128xf32, #tpu.memory_space<hbm>> -> memref<288x128xf32, #tpu.memory_space<hbm>>
      %dma_start3A_51 = arith.constant 0 : i32
      %dma_start3A_52 = tpu.memref_slice %arg4[%mul3A_2, %dma_start3A_51] : memref<9216x128xf32, #tpu.memory_space<hbm>> -> memref<288x128xf32, #tpu.memory_space<hbm>>
      tpu.enqueue_dma source(%arg6 : memref<288x128xf32, #tpu.memory_space<vmem>>) target(%dma_start3A_52 : memref<288x128xf32, #tpu.memory_space<hbm>>) target_semaphore(%run_scoped3A : memref<!tpu.dma_semaphore, #tpu.memory_space<semaphore_mem>>)
      %dma_wait3A_53 = arith.constant 0 : i32
      %dma_wait3A_54 = tpu.memref_slice %arg4[%mul3A_2, %dma_wait3A_53] : memref<9216x128xf32, #tpu.memory_space<hbm>> -> memref<288x128xf32, #tpu.memory_space<hbm>>
      %dma_wait3A_55 = arith.constant 0 : i32
      %dma_wait3A_56 = tpu.memref_slice %arg4[%mul3A_2, %dma_wait3A_55] : memref<9216x128xf32, #tpu.memory_space<hbm>> -> memref<288x128xf32, #tpu.memory_space<hbm>>
      tpu.wait_dma2 semaphore(%run_scoped3A : memref<!tpu.dma_semaphore, #tpu.memory_space<semaphore_mem>>) src(%arg6 : memref<288x128xf32, #tpu.memory_space<vmem>>) dst(%dma_wait3A_56 : memref<288x128xf32, #tpu.memory_space<hbm>>)
      tpu.yield
    }) : () -> ()
    return
  }
}

module attributes {stable_mosaic.version = 14 : i64} {
  func.func @_argmin_body(%arg0: i32, %arg1: memref<512x64xf32, #tpu.memory_space<vmem>>, %arg2: memref<64x8192xf32, #tpu.memory_space<vmem>>, %arg3: memref<1x1x512xi32, #tpu.memory_space<vmem>>, %arg4: memref<1x1xf32, #tpu.memory_space<smem>>, %arg5: memref<1x8192xf32, #tpu.memory_space<vmem>>) attributes {dimension_semantics = [#tpu.dimension_semantics<arbitrary>], iteration_bounds = array<i64: 18>, scalar_prefetch = 0 : i64, scratch_operands = 1 : i64, tpu.core_type = #tpu.core_type<tc>, window_params = [{transform_indices = @transform_0, window_bounds = array<i64: 512, 64>}, {pipeline_mode = #tpu.pipeline_mode<synchronous>, transform_indices = @transform_1, window_bounds = array<i64: 64, 8192>}, {transform_indices = @transform_2, window_bounds = array<i64: 1, 1, 512>}, {transform_indices = @transform_3, window_bounds = array<i64: 1, 1>}]} {
    %eq3A = arith.constant 0 : i32
    %eq3A_0 = arith.cmpi eq, %arg0, %eq3A : i32
    %convert_element_type3A = arith.extui %eq3A_0 : i1 to i32
    %cond3A = arith.constant 0 : i32
    %cond3A_1 = arith.cmpi ne, %convert_element_type3A, %cond3A : i32
    scf.if %cond3A_1 {
      %swap3A_824 = arith.constant 0.000000e+00 : f32
      %swap3A_825 = arith.constant 0 : index
      %swap3A_826 = arith.constant 0 : index
      %swap3A_827 = memref.load %arg4[%swap3A_825, %swap3A_826] : memref<1x1xf32, #tpu.memory_space<smem>>
      memref.store %swap3A_824, %arg4[%swap3A_825, %swap3A_826] : memref<1x1xf32, #tpu.memory_space<smem>>
      %get3A_828 = arith.constant 0 : index
      %get3A_829 = arith.constant 0 : index
      %get3A_830 = vector.load %arg2[%get3A_828, %get3A_829] : memref<64x8192xf32, #tpu.memory_space<vmem>>, vector<64x512xf32>
      %mul3A_831 = arith.mulf %get3A_830, %get3A_830 : vector<64x512xf32>
      %reduce_sum3A_832 = arith.constant dense<0.000000e+00> : vector<512xf32>
      %reduce_sum3A_833 = vector.multi_reduction <add>, %mul3A_831, %reduce_sum3A_832 [0] : vector<64x512xf32> to vector<512xf32>
      %mul3A_834 = arith.constant 5.000000e-01 : f32
      %mul3A_835 = vector.broadcast %mul3A_834 : f32 to vector<512xf32>
      %mul3A_836 = arith.mulf %mul3A_835, %reduce_sum3A_833 : vector<512xf32>
      %swap3A_837 = arith.constant 0 : index
      %swap3A_838 = arith.constant 0 : index
      %swap3A_839 = vector.load %arg5[%swap3A_837, %swap3A_838] : memref<1x8192xf32, #tpu.memory_space<vmem>>, vector<1x512xf32>
      %swap3A_840 = vector.shape_cast %swap3A_839 : vector<1x512xf32> to vector<512xf32>
      %swap3A_841 = vector.shape_cast %mul3A_836 : vector<512xf32> to vector<1x512xf32>
      tpu.vector_store %arg5[%swap3A_837, %swap3A_838], %swap3A_841 {strides = array<i32>} : memref<1x8192xf32, #tpu.memory_space<vmem>>, vector<1x512xf32>,
      %get3A_842 = arith.constant 0 : index
      %get3A_843 = arith.constant 512 : index
      %get3A_844 = vector.load %arg2[%get3A_842, %get3A_843] : memref<64x8192xf32, #tpu.memory_space<vmem>>, vector<64x512xf32>
      %mul3A_845 = arith.mulf %get3A_844, %get3A_844 : vector<64x512xf32>
      %reduce_sum3A_846 = arith.constant dense<0.000000e+00> : vector<512xf32>
      %reduce_sum3A_847 = vector.multi_reduction <add>, %mul3A_845, %reduce_sum3A_846 [0] : vector<64x512xf32> to vector<512xf32>
      %mul3A_848 = arith.constant 5.000000e-01 : f32
      %mul3A_849 = vector.broadcast %mul3A_848 : f32 to vector<512xf32>
      %mul3A_850 = arith.mulf %mul3A_849, %reduce_sum3A_847 : vector<512xf32>
      %swap3A_851 = arith.constant 0 : index
      %swap3A_852 = arith.constant 512 : index
      %swap3A_853 = vector.load %arg5[%swap3A_851, %swap3A_852] : memref<1x8192xf32, #tpu.memory_space<vmem>>, vector<1x512xf32>
      %swap3A_854 = vector.shape_cast %swap3A_853 : vector<1x512xf32> to vector<512xf32>
      %swap3A_855 = vector.shape_cast %mul3A_850 : vector<512xf32> to vector<1x512xf32>
      tpu.vector_store %arg5[%swap3A_851, %swap3A_852], %swap3A_855 {strides = array<i32>} : memref<1x8192xf32, #tpu.memory_space<vmem>>, vector<1x512xf32>,
      %get3A_856 = arith.constant 0 : index
      %get3A_857 = arith.constant 1024 : index
      %get3A_858 = vector.load %arg2[%get3A_856, %get3A_857] : memref<64x8192xf32, #tpu.memory_space<vmem>>, vector<64x512xf32>
      %mul3A_859 = arith.mulf %get3A_858, %get3A_858 : vector<64x512xf32>
      %reduce_sum3A_860 = arith.constant dense<0.000000e+00> : vector<512xf32>
      %reduce_sum3A_861 = vector.multi_reduction <add>, %mul3A_859, %reduce_sum3A_860 [0] : vector<64x512xf32> to vector<512xf32>
      %mul3A_862 = arith.constant 5.000000e-01 : f32
      %mul3A_863 = vector.broadcast %mul3A_862 : f32 to vector<512xf32>
      %mul3A_864 = arith.mulf %mul3A_863, %reduce_sum3A_861 : vector<512xf32>
      %swap3A_865 = arith.constant 0 : index
      %swap3A_866 = arith.constant 1024 : index
      %swap3A_867 = vector.load %arg5[%swap3A_865, %swap3A_866] : memref<1x8192xf32, #tpu.memory_space<vmem>>, vector<1x512xf32>
      %swap3A_868 = vector.shape_cast %swap3A_867 : vector<1x512xf32> to vector<512xf32>
      %swap3A_869 = vector.shape_cast %mul3A_864 : vector<512xf32> to vector<1x512xf32>
      tpu.vector_store %arg5[%swap3A_865, %swap3A_866], %swap3A_869 {strides = array<i32>} : memref<1x8192xf32, #tpu.memory_space<vmem>>, vector<1x512xf32>,
      %get3A_870 = arith.constant 0 : index
      %get3A_871 = arith.constant 1536 : index
      %get3A_872 = vector.load %arg2[%get3A_870, %get3A_871] : memref<64x8192xf32, #tpu.memory_space<vmem>>, vector<64x512xf32>
      %mul3A_873 = arith.mulf %get3A_872, %get3A_872 : vector<64x512xf32>
      %reduce_sum3A_874 = arith.constant dense<0.000000e+00> : vector<512xf32>
      %reduce_sum3A_875 = vector.multi_reduction <add>, %mul3A_873, %reduce_sum3A_874 [0] : vector<64x512xf32> to vector<512xf32>
      %mul3A_876 = arith.constant 5.000000e-01 : f32
      %mul3A_877 = vector.broadcast %mul3A_876 : f32 to vector<512xf32>
      %mul3A_878 = arith.mulf %mul3A_877, %reduce_sum3A_875 : vector<512xf32>
      %swap3A_879 = arith.constant 0 : index
      %swap3A_880 = arith.constant 1536 : index
      %swap3A_881 = vector.load %arg5[%swap3A_879, %swap3A_880] : memref<1x8192xf32, #tpu.memory_space<vmem>>, vector<1x512xf32>
      %swap3A_882 = vector.shape_cast %swap3A_881 : vector<1x512xf32> to vector<512xf32>
      %swap3A_883 = vector.shape_cast %mul3A_878 : vector<512xf32> to vector<1x512xf32>
      tpu.vector_store %arg5[%swap3A_879, %swap3A_880], %swap3A_883 {strides = array<i32>} : memref<1x8192xf32, #tpu.memory_space<vmem>>, vector<1x512xf32>,
      %get3A_884 = arith.constant 0 : index
      %get3A_885 = arith.constant 2048 : index
      %get3A_886 = vector.load %arg2[%get3A_884, %get3A_885] : memref<64x8192xf32, #tpu.memory_space<vmem>>, vector<64x512xf32>
      %mul3A_887 = arith.mulf %get3A_886, %get3A_886 : vector<64x512xf32>
      %reduce_sum3A_888 = arith.constant dense<0.000000e+00> : vector<512xf32>
      %reduce_sum3A_889 = vector.multi_reduction <add>, %mul3A_887, %reduce_sum3A_888 [0] : vector<64x512xf32> to vector<512xf32>
      %mul3A_890 = arith.constant 5.000000e-01 : f32
      %mul3A_891 = vector.broadcast %mul3A_890 : f32 to vector<512xf32>
      %mul3A_892 = arith.mulf %mul3A_891, %reduce_sum3A_889 : vector<512xf32>
      %swap3A_893 = arith.constant 0 : index
      %swap3A_894 = arith.constant 2048 : index
      %swap3A_895 = vector.load %arg5[%swap3A_893, %swap3A_894] : memref<1x8192xf32, #tpu.memory_space<vmem>>, vector<1x512xf32>
      %swap3A_896 = vector.shape_cast %swap3A_895 : vector<1x512xf32> to vector<512xf32>
      %swap3A_897 = vector.shape_cast %mul3A_892 : vector<512xf32> to vector<1x512xf32>
      tpu.vector_store %arg5[%swap3A_893, %swap3A_894], %swap3A_897 {strides = array<i32>} : memref<1x8192xf32, #tpu.memory_space<vmem>>, vector<1x512xf32>,
      %get3A_898 = arith.constant 0 : index
      %get3A_899 = arith.constant 2560 : index
      %get3A_900 = vector.load %arg2[%get3A_898, %get3A_899] : memref<64x8192xf32, #tpu.memory_space<vmem>>, vector<64x512xf32>
      %mul3A_901 = arith.mulf %get3A_900, %get3A_900 : vector<64x512xf32>
      %reduce_sum3A_902 = arith.constant dense<0.000000e+00> : vector<512xf32>
      %reduce_sum3A_903 = vector.multi_reduction <add>, %mul3A_901, %reduce_sum3A_902 [0] : vector<64x512xf32> to vector<512xf32>
      %mul3A_904 = arith.constant 5.000000e-01 : f32
      %mul3A_905 = vector.broadcast %mul3A_904 : f32 to vector<512xf32>
      %mul3A_906 = arith.mulf %mul3A_905, %reduce_sum3A_903 : vector<512xf32>
      %swap3A_907 = arith.constant 0 : index
      %swap3A_908 = arith.constant 2560 : index
      %swap3A_909 = vector.load %arg5[%swap3A_907, %swap3A_908] : memref<1x8192xf32, #tpu.memory_space<vmem>>, vector<1x512xf32>
      %swap3A_910 = vector.shape_cast %swap3A_909 : vector<1x512xf32> to vector<512xf32>
      %swap3A_911 = vector.shape_cast %mul3A_906 : vector<512xf32> to vector<1x512xf32>
      tpu.vector_store %arg5[%swap3A_907, %swap3A_908], %swap3A_911 {strides = array<i32>} : memref<1x8192xf32, #tpu.memory_space<vmem>>, vector<1x512xf32>,
      %get3A_912 = arith.constant 0 : index
      %get3A_913 = arith.constant 3072 : index
      %get3A_914 = vector.load %arg2[%get3A_912, %get3A_913] : memref<64x8192xf32, #tpu.memory_space<vmem>>, vector<64x512xf32>
      %mul3A_915 = arith.mulf %get3A_914, %get3A_914 : vector<64x512xf32>
      %reduce_sum3A_916 = arith.constant dense<0.000000e+00> : vector<512xf32>
      %reduce_sum3A_917 = vector.multi_reduction <add>, %mul3A_915, %reduce_sum3A_916 [0] : vector<64x512xf32> to vector<512xf32>
      %mul3A_918 = arith.constant 5.000000e-01 : f32
      %mul3A_919 = vector.broadcast %mul3A_918 : f32 to vector<512xf32>
      %mul3A_920 = arith.mulf %mul3A_919, %reduce_sum3A_917 : vector<512xf32>
      %swap3A_921 = arith.constant 0 : index
      %swap3A_922 = arith.constant 3072 : index
      %swap3A_923 = vector.load %arg5[%swap3A_921, %swap3A_922] : memref<1x8192xf32, #tpu.memory_space<vmem>>, vector<1x512xf32>
      %swap3A_924 = vector.shape_cast %swap3A_923 : vector<1x512xf32> to vector<512xf32>
      %swap3A_925 = vector.shape_cast %mul3A_920 : vector<512xf32> to vector<1x512xf32>
      tpu.vector_store %arg5[%swap3A_921, %swap3A_922], %swap3A_925 {strides = array<i32>} : memref<1x8192xf32, #tpu.memory_space<vmem>>, vector<1x512xf32>,
      %get3A_926 = arith.constant 0 : index
      %get3A_927 = arith.constant 3584 : index
      %get3A_928 = vector.load %arg2[%get3A_926, %get3A_927] : memref<64x8192xf32, #tpu.memory_space<vmem>>, vector<64x512xf32>
      %mul3A_929 = arith.mulf %get3A_928, %get3A_928 : vector<64x512xf32>
      %reduce_sum3A_930 = arith.constant dense<0.000000e+00> : vector<512xf32>
      %reduce_sum3A_931 = vector.multi_reduction <add>, %mul3A_929, %reduce_sum3A_930 [0] : vector<64x512xf32> to vector<512xf32>
      %mul3A_932 = arith.constant 5.000000e-01 : f32
      %mul3A_933 = vector.broadcast %mul3A_932 : f32 to vector<512xf32>
      %mul3A_934 = arith.mulf %mul3A_933, %reduce_sum3A_931 : vector<512xf32>
      %swap3A_935 = arith.constant 0 : index
      %swap3A_936 = arith.constant 3584 : index
      %swap3A_937 = vector.load %arg5[%swap3A_935, %swap3A_936] : memref<1x8192xf32, #tpu.memory_space<vmem>>, vector<1x512xf32>
      %swap3A_938 = vector.shape_cast %swap3A_937 : vector<1x512xf32> to vector<512xf32>
      %swap3A_939 = vector.shape_cast %mul3A_934 : vector<512xf32> to vector<1x512xf32>
      tpu.vector_store %arg5[%swap3A_935, %swap3A_936], %swap3A_939 {strides = array<i32>} : memref<1x8192xf32, #tpu.memory_space<vmem>>, vector<1x512xf32>,
      %get3A_940 = arith.constant 0 : index
      %get3A_941 = arith.constant 4096 : index
      %get3A_942 = vector.load %arg2[%get3A_940, %get3A_941] : memref<64x8192xf32, #tpu.memory_space<vmem>>, vector<64x512xf32>
      %mul3A_943 = arith.mulf %get3A_942, %get3A_942 : vector<64x512xf32>
      %reduce_sum3A_944 = arith.constant dense<0.000000e+00> : vector<512xf32>
      %reduce_sum3A_945 = vector.multi_reduction <add>, %mul3A_943, %reduce_sum3A_944 [0] : vector<64x512xf32> to vector<512xf32>
      %mul3A_946 = arith.constant 5.000000e-01 : f32
      %mul3A_947 = vector.broadcast %mul3A_946 : f32 to vector<512xf32>
      %mul3A_948 = arith.mulf %mul3A_947, %reduce_sum3A_945 : vector<512xf32>
      %swap3A_949 = arith.constant 0 : index
      %swap3A_950 = arith.constant 4096 : index
      %swap3A_951 = vector.load %arg5[%swap3A_949, %swap3A_950] : memref<1x8192xf32, #tpu.memory_space<vmem>>, vector<1x512xf32>
      %swap3A_952 = vector.shape_cast %swap3A_951 : vector<1x512xf32> to vector<512xf32>
      %swap3A_953 = vector.shape_cast %mul3A_948 : vector<512xf32> to vector<1x512xf32>
      tpu.vector_store %arg5[%swap3A_949, %swap3A_950], %swap3A_953 {strides = array<i32>} : memref<1x8192xf32, #tpu.memory_space<vmem>>, vector<1x512xf32>,
      %get3A_954 = arith.constant 0 : index
      %get3A_955 = arith.constant 4608 : index
      %get3A_956 = vector.load %arg2[%get3A_954, %get3A_955] : memref<64x8192xf32, #tpu.memory_space<vmem>>, vector<64x512xf32>
      %mul3A_957 = arith.mulf %get3A_956, %get3A_956 : vector<64x512xf32>
      %reduce_sum3A_958 = arith.constant dense<0.000000e+00> : vector<512xf32>
      %reduce_sum3A_959 = vector.multi_reduction <add>, %mul3A_957, %reduce_sum3A_958 [0] : vector<64x512xf32> to vector<512xf32>
      %mul3A_960 = arith.constant 5.000000e-01 : f32
      %mul3A_961 = vector.broadcast %mul3A_960 : f32 to vector<512xf32>
      %mul3A_962 = arith.mulf %mul3A_961, %reduce_sum3A_959 : vector<512xf32>
      %swap3A_963 = arith.constant 0 : index
      %swap3A_964 = arith.constant 4608 : index
      %swap3A_965 = vector.load %arg5[%swap3A_963, %swap3A_964] : memref<1x8192xf32, #tpu.memory_space<vmem>>, vector<1x512xf32>
      %swap3A_966 = vector.shape_cast %swap3A_965 : vector<1x512xf32> to vector<512xf32>
      %swap3A_967 = vector.shape_cast %mul3A_962 : vector<512xf32> to vector<1x512xf32>
      tpu.vector_store %arg5[%swap3A_963, %swap3A_964], %swap3A_967 {strides = array<i32>} : memref<1x8192xf32, #tpu.memory_space<vmem>>, vector<1x512xf32>,
      %get3A_968 = arith.constant 0 : index
      %get3A_969 = arith.constant 5120 : index
      %get3A_970 = vector.load %arg2[%get3A_968, %get3A_969] : memref<64x8192xf32, #tpu.memory_space<vmem>>, vector<64x512xf32>
      %mul3A_971 = arith.mulf %get3A_970, %get3A_970 : vector<64x512xf32>
      %reduce_sum3A_972 = arith.constant dense<0.000000e+00> : vector<512xf32>
      %reduce_sum3A_973 = vector.multi_reduction <add>, %mul3A_971, %reduce_sum3A_972 [0] : vector<64x512xf32> to vector<512xf32>
      %mul3A_974 = arith.constant 5.000000e-01 : f32
      %mul3A_975 = vector.broadcast %mul3A_974 : f32 to vector<512xf32>
      %mul3A_976 = arith.mulf %mul3A_975, %reduce_sum3A_973 : vector<512xf32>
      %swap3A_977 = arith.constant 0 : index
      %swap3A_978 = arith.constant 5120 : index
      %swap3A_979 = vector.load %arg5[%swap3A_977, %swap3A_978] : memref<1x8192xf32, #tpu.memory_space<vmem>>, vector<1x512xf32>
      %swap3A_980 = vector.shape_cast %swap3A_979 : vector<1x512xf32> to vector<512xf32>
      %swap3A_981 = vector.shape_cast %mul3A_976 : vector<512xf32> to vector<1x512xf32>
      tpu.vector_store %arg5[%swap3A_977, %swap3A_978], %swap3A_981 {strides = array<i32>} : memref<1x8192xf32, #tpu.memory_space<vmem>>, vector<1x512xf32>,
      %get3A_982 = arith.constant 0 : index
      %get3A_983 = arith.constant 5632 : index
      %get3A_984 = vector.load %arg2[%get3A_982, %get3A_983] : memref<64x8192xf32, #tpu.memory_space<vmem>>, vector<64x512xf32>
      %mul3A_985 = arith.mulf %get3A_984, %get3A_984 : vector<64x512xf32>
      %reduce_sum3A_986 = arith.constant dense<0.000000e+00> : vector<512xf32>
      %reduce_sum3A_987 = vector.multi_reduction <add>, %mul3A_985, %reduce_sum3A_986 [0] : vector<64x512xf32> to vector<512xf32>
      %mul3A_988 = arith.constant 5.000000e-01 : f32
      %mul3A_989 = vector.broadcast %mul3A_988 : f32 to vector<512xf32>
      %mul3A_990 = arith.mulf %mul3A_989, %reduce_sum3A_987 : vector<512xf32>
      %swap3A_991 = arith.constant 0 : index
      %swap3A_992 = arith.constant 5632 : index
      %swap3A_993 = vector.load %arg5[%swap3A_991, %swap3A_992] : memref<1x8192xf32, #tpu.memory_space<vmem>>, vector<1x512xf32>
      %swap3A_994 = vector.shape_cast %swap3A_993 : vector<1x512xf32> to vector<512xf32>
      %swap3A_995 = vector.shape_cast %mul3A_990 : vector<512xf32> to vector<1x512xf32>
      tpu.vector_store %arg5[%swap3A_991, %swap3A_992], %swap3A_995 {strides = array<i32>} : memref<1x8192xf32, #tpu.memory_space<vmem>>, vector<1x512xf32>,
      %get3A_996 = arith.constant 0 : index
      %get3A_997 = arith.constant 6144 : index
      %get3A_998 = vector.load %arg2[%get3A_996, %get3A_997] : memref<64x8192xf32, #tpu.memory_space<vmem>>, vector<64x512xf32>
      %mul3A_999 = arith.mulf %get3A_998, %get3A_998 : vector<64x512xf32>
      %reduce_sum3A_1000 = arith.constant dense<0.000000e+00> : vector<512xf32>
      %reduce_sum3A_1001 = vector.multi_reduction <add>, %mul3A_999, %reduce_sum3A_1000 [0] : vector<64x512xf32> to vector<512xf32>
      %mul3A_1002 = arith.constant 5.000000e-01 : f32
      %mul3A_1003 = vector.broadcast %mul3A_1002 : f32 to vector<512xf32>
      %mul3A_1004 = arith.mulf %mul3A_1003, %reduce_sum3A_1001 : vector<512xf32>
      %swap3A_1005 = arith.constant 0 : index
      %swap3A_1006 = arith.constant 6144 : index
      %swap3A_1007 = vector.load %arg5[%swap3A_1005, %swap3A_1006] : memref<1x8192xf32, #tpu.memory_space<vmem>>, vector<1x512xf32>
      %swap3A_1008 = vector.shape_cast %swap3A_1007 : vector<1x512xf32> to vector<512xf32>
      %swap3A_1009 = vector.shape_cast %mul3A_1004 : vector<512xf32> to vector<1x512xf32>
      tpu.vector_store %arg5[%swap3A_1005, %swap3A_1006], %swap3A_1009 {strides = array<i32>} : memref<1x8192xf32, #tpu.memory_space<vmem>>, vector<1x512xf32>,
      %get3A_1010 = arith.constant 0 : index
      %get3A_1011 = arith.constant 6656 : index
      %get3A_1012 = vector.load %arg2[%get3A_1010, %get3A_1011] : memref<64x8192xf32, #tpu.memory_space<vmem>>, vector<64x512xf32>
      %mul3A_1013 = arith.mulf %get3A_1012, %get3A_1012 : vector<64x512xf32>
      %reduce_sum3A_1014 = arith.constant dense<0.000000e+00> : vector<512xf32>
      %reduce_sum3A_1015 = vector.multi_reduction <add>, %mul3A_1013, %reduce_sum3A_1014 [0] : vector<64x512xf32> to vector<512xf32>
      %mul3A_1016 = arith.constant 5.000000e-01 : f32
      %mul3A_1017 = vector.broadcast %mul3A_1016 : f32 to vector<512xf32>
      %mul3A_1018 = arith.mulf %mul3A_1017, %reduce_sum3A_1015 : vector<512xf32>
      %swap3A_1019 = arith.constant 0 : index
      %swap3A_1020 = arith.constant 6656 : index
      %swap3A_1021 = vector.load %arg5[%swap3A_1019, %swap3A_1020] : memref<1x8192xf32, #tpu.memory_space<vmem>>, vector<1x512xf32>
      %swap3A_1022 = vector.shape_cast %swap3A_1021 : vector<1x512xf32> to vector<512xf32>
      %swap3A_1023 = vector.shape_cast %mul3A_1018 : vector<512xf32> to vector<1x512xf32>
      tpu.vector_store %arg5[%swap3A_1019, %swap3A_1020], %swap3A_1023 {strides = array<i32>} : memref<1x8192xf32, #tpu.memory_space<vmem>>, vector<1x512xf32>,
      %get3A_1024 = arith.constant 0 : index
      %get3A_1025 = arith.constant 7168 : index
      %get3A_1026 = vector.load %arg2[%get3A_1024, %get3A_1025] : memref<64x8192xf32, #tpu.memory_space<vmem>>, vector<64x512xf32>
      %mul3A_1027 = arith.mulf %get3A_1026, %get3A_1026 : vector<64x512xf32>
      %reduce_sum3A_1028 = arith.constant dense<0.000000e+00> : vector<512xf32>
      %reduce_sum3A_1029 = vector.multi_reduction <add>, %mul3A_1027, %reduce_sum3A_1028 [0] : vector<64x512xf32> to vector<512xf32>
      %mul3A_1030 = arith.constant 5.000000e-01 : f32
      %mul3A_1031 = vector.broadcast %mul3A_1030 : f32 to vector<512xf32>
      %mul3A_1032 = arith.mulf %mul3A_1031, %reduce_sum3A_1029 : vector<512xf32>
      %swap3A_1033 = arith.constant 0 : index
      %swap3A_1034 = arith.constant 7168 : index
      %swap3A_1035 = vector.load %arg5[%swap3A_1033, %swap3A_1034] : memref<1x8192xf32, #tpu.memory_space<vmem>>, vector<1x512xf32>
      %swap3A_1036 = vector.shape_cast %swap3A_1035 : vector<1x512xf32> to vector<512xf32>
      %swap3A_1037 = vector.shape_cast %mul3A_1032 : vector<512xf32> to vector<1x512xf32>
      tpu.vector_store %arg5[%swap3A_1033, %swap3A_1034], %swap3A_1037 {strides = array<i32>} : memref<1x8192xf32, #tpu.memory_space<vmem>>, vector<1x512xf32>,
      %get3A_1038 = arith.constant 0 : index
      %get3A_1039 = arith.constant 7680 : index
      %get3A_1040 = vector.load %arg2[%get3A_1038, %get3A_1039] : memref<64x8192xf32, #tpu.memory_space<vmem>>, vector<64x512xf32>
      %mul3A_1041 = arith.mulf %get3A_1040, %get3A_1040 : vector<64x512xf32>
      %reduce_sum3A_1042 = arith.constant dense<0.000000e+00> : vector<512xf32>
      %reduce_sum3A_1043 = vector.multi_reduction <add>, %mul3A_1041, %reduce_sum3A_1042 [0] : vector<64x512xf32> to vector<512xf32>
      %mul3A_1044 = arith.constant 5.000000e-01 : f32
      %mul3A_1045 = vector.broadcast %mul3A_1044 : f32 to vector<512xf32>
      %mul3A_1046 = arith.mulf %mul3A_1045, %reduce_sum3A_1043 : vector<512xf32>
      %swap3A_1047 = arith.constant 0 : index
      %swap3A_1048 = arith.constant 7680 : index
      %swap3A_1049 = vector.load %arg5[%swap3A_1047, %swap3A_1048] : memref<1x8192xf32, #tpu.memory_space<vmem>>, vector<1x512xf32>
      %swap3A_1050 = vector.shape_cast %swap3A_1049 : vector<1x512xf32> to vector<512xf32>
      %swap3A_1051 = vector.shape_cast %mul3A_1046 : vector<512xf32> to vector<1x512xf32>
      tpu.vector_store %arg5[%swap3A_1047, %swap3A_1048], %swap3A_1051 {strides = array<i32>} : memref<1x8192xf32, #tpu.memory_space<vmem>>, vector<1x512xf32>,
    } else {
    }
    %get3A = arith.constant 0 : index
    %get3A_2 = arith.constant 0 : index
    %get3A_3 = vector.load %arg1[%get3A, %get3A_2] : memref<512x64xf32, #tpu.memory_space<vmem>>, vector<512x64xf32>
    %broadcast_in_dim3A = arith.constant 0x7F800000 : f32
    %broadcast_in_dim3A_4 = vector.broadcast %broadcast_in_dim3A : f32 to vector<512x128xf32>
    %broadcast_in_dim3A_5 = arith.constant 0 : i32
    %broadcast_in_dim3A_6 = vector.broadcast %broadcast_in_dim3A_5 : i32 to vector<512x128xi32>
    %get3A_7 = arith.constant 0 : index
    %get3A_8 = arith.constant 0 : index
    %get3A_9 = vector.load %arg2[%get3A_7, %get3A_8] : memref<64x8192xf32, #tpu.memory_space<vmem>>, vector<64x512xf32>
    %dot_general3A = arith.constant dense<0.000000e+00> : vector<512x512xf32>
    %dot_general3A_10 = tpu.matmul %get3A_3, %get3A_9, %dot_general3A {dimension_numbers = #tpu.dot_dimension_numbers<[1], [0], [0], [1], [0, 0, 1, 1], [], []>, transpose_lhs_hint = false} : vector<512x64xf32>, vector<64x512xf32>, vector<512x512xf32> -> vector<512x512xf32>
    %get3A_11 = arith.constant 0 : index
    %get3A_12 = arith.constant 0 : index
    %get3A_13 = vector.load %arg5[%get3A_11, %get3A_12] : memref<1x8192xf32, #tpu.memory_space<vmem>>, vector<1x512xf32>
    %get3A_14 = vector.shape_cast %get3A_13 : vector<1x512xf32> to vector<512xf32>
    %slice3A = vector.extract_strided_slice %get3A_14 {offsets = [0], sizes = [128], strides = [1]} : vector<512xf32> to vector<128xf32>
    %broadcast_in_dim3A_15 = vector.shape_cast %slice3A : vector<128xf32> to vector<1x128xf32>
    %slice3A_16 = vector.extract_strided_slice %dot_general3A_10 {offsets = [0, 0], sizes = [512, 128], strides = [1, 1]} : vector<512x512xf32> to vector<512x128xf32>
    %sub3A = vector.broadcast %broadcast_in_dim3A_15 : vector<1x128xf32> to vector<512x128xf32>
    %sub3A_17 = arith.subf %sub3A, %slice3A_16 : vector<512x128xf32>
    %lt3A = arith.cmpf olt, %sub3A_17, %broadcast_in_dim3A_4 : vector<512x128xf32>
    %select_n3A = arith.select %lt3A, %sub3A_17, %broadcast_in_dim3A_4 : vector<512x128xi1>, vector<512x128xf32>
    %jit3A = arith.constant 0 : i32
    %broadcast_in_dim3A_18 = vector.broadcast %jit3A : i32 to vector<512x128xi32>
    %select_n3A_19 = arith.select %lt3A, %broadcast_in_dim3A_18, %broadcast_in_dim3A_6 : vector<512x128xi1>, vector<512x128xi32>
    %slice3A_20 = vector.extract_strided_slice %get3A_14 {offsets = [128], sizes = [128], strides = [1]} : vector<512xf32> to vector<128xf32>
    %broadcast_in_dim3A_21 = vector.shape_cast %slice3A_20 : vector<128xf32> to vector<1x128xf32>
    %slice3A_22 = vector.extract_strided_slice %dot_general3A_10 {offsets = [0, 128], sizes = [512, 128], strides = [1, 1]} : vector<512x512xf32> to vector<512x128xf32>
    %sub3A_23 = vector.broadcast %broadcast_in_dim3A_21 : vector<1x128xf32> to vector<512x128xf32>
    %sub3A_24 = arith.subf %sub3A_23, %slice3A_22 : vector<512x128xf32>
    %lt3A_25 = arith.cmpf olt, %sub3A_24, %select_n3A : vector<512x128xf32>
    %select_n3A_26 = arith.select %lt3A_25, %sub3A_24, %select_n3A : vector<512x128xi1>, vector<512x128xf32>
    %jit3A_27 = arith.constant 1 : i32
    %broadcast_in_dim3A_28 = vector.broadcast %jit3A_27 : i32 to vector<512x128xi32>
    %select_n3A_29 = arith.select %lt3A_25, %broadcast_in_dim3A_28, %select_n3A_19 : vector<512x128xi1>, vector<512x128xi32>
    %slice3A_30 = vector.extract_strided_slice %get3A_14 {offsets = [256], sizes = [128], strides = [1]} : vector<512xf32> to vector<128xf32>
    %broadcast_in_dim3A_31 = vector.shape_cast %slice3A_30 : vector<128xf32> to vector<1x128xf32>
    %slice3A_32 = vector.extract_strided_slice %dot_general3A_10 {offsets = [0, 256], sizes = [512, 128], strides = [1, 1]} : vector<512x512xf32> to vector<512x128xf32>
    %sub3A_33 = vector.broadcast %broadcast_in_dim3A_31 : vector<1x128xf32> to vector<512x128xf32>
    %sub3A_34 = arith.subf %sub3A_33, %slice3A_32 : vector<512x128xf32>
    %lt3A_35 = arith.cmpf olt, %sub3A_34, %select_n3A_26 : vector<512x128xf32>
    %select_n3A_36 = arith.select %lt3A_35, %sub3A_34, %select_n3A_26 : vector<512x128xi1>, vector<512x128xf32>
    %jit3A_37 = arith.constant 2 : i32
    %broadcast_in_dim3A_38 = vector.broadcast %jit3A_37 : i32 to vector<512x128xi32>
    %select_n3A_39 = arith.select %lt3A_35, %broadcast_in_dim3A_38, %select_n3A_29 : vector<512x128xi1>, vector<512x128xi32>
    %slice3A_40 = vector.extract_strided_slice %get3A_14 {offsets = [384], sizes = [128], strides = [1]} : vector<512xf32> to vector<128xf32>
    %broadcast_in_dim3A_41 = vector.shape_cast %slice3A_40 : vector<128xf32> to vector<1x128xf32>
    %slice3A_42 = vector.extract_strided_slice %dot_general3A_10 {offsets = [0, 384], sizes = [512, 128], strides = [1, 1]} : vector<512x512xf32> to vector<512x128xf32>
    %sub3A_43 = vector.broadcast %broadcast_in_dim3A_41 : vector<1x128xf32> to vector<512x128xf32>
    %sub3A_44 = arith.subf %sub3A_43, %slice3A_42 : vector<512x128xf32>
    %lt3A_45 = arith.cmpf olt, %sub3A_44, %select_n3A_36 : vector<512x128xf32>
    %select_n3A_46 = arith.select %lt3A_45, %sub3A_44, %select_n3A_36 : vector<512x128xi1>, vector<512x128xf32>
    %jit3A_47 = arith.constant 3 : i32
    %broadcast_in_dim3A_48 = vector.broadcast %jit3A_47 : i32 to vector<512x128xi32>
    %select_n3A_49 = arith.select %lt3A_45, %broadcast_in_dim3A_48, %select_n3A_39 : vector<512x128xi1>, vector<512x128xi32>
    %get3A_50 = arith.constant 0 : index
    %get3A_51 = arith.constant 512 : index
    %get3A_52 = vector.load %arg2[%get3A_50, %get3A_51] : memref<64x8192xf32, #tpu.memory_space<vmem>>, vector<64x512xf32>
    %dot_general3A_53 = arith.constant dense<0.000000e+00> : vector<512x512xf32>
    %dot_general3A_54 = tpu.matmul %get3A_3, %get3A_52, %dot_general3A_53 {dimension_numbers = #tpu.dot_dimension_numbers<[1], [0], [0], [1], [0, 0, 1, 1], [], []>, transpose_lhs_hint = false} : vector<512x64xf32>, vector<64x512xf32>, vector<512x512xf32> -> vector<512x512xf32>
    %get3A_55 = arith.constant 0 : index
    %get3A_56 = arith.constant 512 : index
    %get3A_57 = vector.load %arg5[%get3A_55, %get3A_56] : memref<1x8192xf32, #tpu.memory_space<vmem>>, vector<1x512xf32>
    %get3A_58 = vector.shape_cast %get3A_57 : vector<1x512xf32> to vector<512xf32>
    %slice3A_59 = vector.extract_strided_slice %get3A_58 {offsets = [0], sizes = [128], strides = [1]} : vector<512xf32> to vector<128xf32>
    %broadcast_in_dim3A_60 = vector.shape_cast %slice3A_59 : vector<128xf32> to vector<1x128xf32>
    %slice3A_61 = vector.extract_strided_slice %dot_general3A_54 {offsets = [0, 0], sizes = [512, 128], strides = [1, 1]} : vector<512x512xf32> to vector<512x128xf32>
    %sub3A_62 = vector.broadcast %broadcast_in_dim3A_60 : vector<1x128xf32> to vector<512x128xf32>
    %sub3A_63 = arith.subf %sub3A_62, %slice3A_61 : vector<512x128xf32>
    %lt3A_64 = arith.cmpf olt, %sub3A_63, %select_n3A_46 : vector<512x128xf32>
    %select_n3A_65 = arith.select %lt3A_64, %sub3A_63, %select_n3A_46 : vector<512x128xi1>, vector<512x128xf32>
    %jit3A_66 = arith.constant 4 : i32
    %broadcast_in_dim3A_67 = vector.broadcast %jit3A_66 : i32 to vector<512x128xi32>
    %select_n3A_68 = arith.select %lt3A_64, %broadcast_in_dim3A_67, %select_n3A_49 : vector<512x128xi1>, vector<512x128xi32>
    %slice3A_69 = vector.extract_strided_slice %get3A_58 {offsets = [128], sizes = [128], strides = [1]} : vector<512xf32> to vector<128xf32>
    %broadcast_in_dim3A_70 = vector.shape_cast %slice3A_69 : vector<128xf32> to vector<1x128xf32>
    %slice3A_71 = vector.extract_strided_slice %dot_general3A_54 {offsets = [0, 128], sizes = [512, 128], strides = [1, 1]} : vector<512x512xf32> to vector<512x128xf32>
    %sub3A_72 = vector.broadcast %broadcast_in_dim3A_70 : vector<1x128xf32> to vector<512x128xf32>
    %sub3A_73 = arith.subf %sub3A_72, %slice3A_71 : vector<512x128xf32>
    %lt3A_74 = arith.cmpf olt, %sub3A_73, %select_n3A_65 : vector<512x128xf32>
    %select_n3A_75 = arith.select %lt3A_74, %sub3A_73, %select_n3A_65 : vector<512x128xi1>, vector<512x128xf32>
    %jit3A_76 = arith.constant 5 : i32
    %broadcast_in_dim3A_77 = vector.broadcast %jit3A_76 : i32 to vector<512x128xi32>
    %select_n3A_78 = arith.select %lt3A_74, %broadcast_in_dim3A_77, %select_n3A_68 : vector<512x128xi1>, vector<512x128xi32>
    %slice3A_79 = vector.extract_strided_slice %get3A_58 {offsets = [256], sizes = [128], strides = [1]} : vector<512xf32> to vector<128xf32>
    %broadcast_in_dim3A_80 = vector.shape_cast %slice3A_79 : vector<128xf32> to vector<1x128xf32>
    %slice3A_81 = vector.extract_strided_slice %dot_general3A_54 {offsets = [0, 256], sizes = [512, 128], strides = [1, 1]} : vector<512x512xf32> to vector<512x128xf32>
    %sub3A_82 = vector.broadcast %broadcast_in_dim3A_80 : vector<1x128xf32> to vector<512x128xf32>
    %sub3A_83 = arith.subf %sub3A_82, %slice3A_81 : vector<512x128xf32>
    %lt3A_84 = arith.cmpf olt, %sub3A_83, %select_n3A_75 : vector<512x128xf32>
    %select_n3A_85 = arith.select %lt3A_84, %sub3A_83, %select_n3A_75 : vector<512x128xi1>, vector<512x128xf32>
    %jit3A_86 = arith.constant 6 : i32
    %broadcast_in_dim3A_87 = vector.broadcast %jit3A_86 : i32 to vector<512x128xi32>
    %select_n3A_88 = arith.select %lt3A_84, %broadcast_in_dim3A_87, %select_n3A_78 : vector<512x128xi1>, vector<512x128xi32>
    %slice3A_89 = vector.extract_strided_slice %get3A_58 {offsets = [384], sizes = [128], strides = [1]} : vector<512xf32> to vector<128xf32>
    %broadcast_in_dim3A_90 = vector.shape_cast %slice3A_89 : vector<128xf32> to vector<1x128xf32>
    %slice3A_91 = vector.extract_strided_slice %dot_general3A_54 {offsets = [0, 384], sizes = [512, 128], strides = [1, 1]} : vector<512x512xf32> to vector<512x128xf32>
    %sub3A_92 = vector.broadcast %broadcast_in_dim3A_90 : vector<1x128xf32> to vector<512x128xf32>
    %sub3A_93 = arith.subf %sub3A_92, %slice3A_91 : vector<512x128xf32>
    %lt3A_94 = arith.cmpf olt, %sub3A_93, %select_n3A_85 : vector<512x128xf32>
    %select_n3A_95 = arith.select %lt3A_94, %sub3A_93, %select_n3A_85 : vector<512x128xi1>, vector<512x128xf32>
    %jit3A_96 = arith.constant 7 : i32
    %broadcast_in_dim3A_97 = vector.broadcast %jit3A_96 : i32 to vector<512x128xi32>
    %select_n3A_98 = arith.select %lt3A_94, %broadcast_in_dim3A_97, %select_n3A_88 : vector<512x128xi1>, vector<512x128xi32>
    %get3A_99 = arith.constant 0 : index
    %get3A_100 = arith.constant 1024 : index
    %get3A_101 = vector.load %arg2[%get3A_99, %get3A_100] : memref<64x8192xf32, #tpu.memory_space<vmem>>, vector<64x512xf32>
    %dot_general3A_102 = arith.constant dense<0.000000e+00> : vector<512x512xf32>
    %dot_general3A_103 = tpu.matmul %get3A_3, %get3A_101, %dot_general3A_102 {dimension_numbers = #tpu.dot_dimension_numbers<[1], [0], [0], [1], [0, 0, 1, 1], [], []>, transpose_lhs_hint = false} : vector<512x64xf32>, vector<64x512xf32>, vector<512x512xf32> -> vector<512x512xf32>
    %get3A_104 = arith.constant 0 : index
    %get3A_105 = arith.constant 1024 : index
    %get3A_106 = vector.load %arg5[%get3A_104, %get3A_105] : memref<1x8192xf32, #tpu.memory_space<vmem>>, vector<1x512xf32>
    %get3A_107 = vector.shape_cast %get3A_106 : vector<1x512xf32> to vector<512xf32>
    %slice3A_108 = vector.extract_strided_slice %get3A_107 {offsets = [0], sizes = [128], strides = [1]} : vector<512xf32> to vector<128xf32>
    %broadcast_in_dim3A_109 = vector.shape_cast %slice3A_108 : vector<128xf32> to vector<1x128xf32>
    %slice3A_110 = vector.extract_strided_slice %dot_general3A_103 {offsets = [0, 0], sizes = [512, 128], strides = [1, 1]} : vector<512x512xf32> to vector<512x128xf32>
    %sub3A_111 = vector.broadcast %broadcast_in_dim3A_109 : vector<1x128xf32> to vector<512x128xf32>
    %sub3A_112 = arith.subf %sub3A_111, %slice3A_110 : vector<512x128xf32>
    %lt3A_113 = arith.cmpf olt, %sub3A_112, %select_n3A_95 : vector<512x128xf32>
    %select_n3A_114 = arith.select %lt3A_113, %sub3A_112, %select_n3A_95 : vector<512x128xi1>, vector<512x128xf32>
    %jit3A_115 = arith.constant 8 : i32
    %broadcast_in_dim3A_116 = vector.broadcast %jit3A_115 : i32 to vector<512x128xi32>
    %select_n3A_117 = arith.select %lt3A_113, %broadcast_in_dim3A_116, %select_n3A_98 : vector<512x128xi1>, vector<512x128xi32>
    %slice3A_118 = vector.extract_strided_slice %get3A_107 {offsets = [128], sizes = [128], strides = [1]} : vector<512xf32> to vector<128xf32>
    %broadcast_in_dim3A_119 = vector.shape_cast %slice3A_118 : vector<128xf32> to vector<1x128xf32>
    %slice3A_120 = vector.extract_strided_slice %dot_general3A_103 {offsets = [0, 128], sizes = [512, 128], strides = [1, 1]} : vector<512x512xf32> to vector<512x128xf32>
    %sub3A_121 = vector.broadcast %broadcast_in_dim3A_119 : vector<1x128xf32> to vector<512x128xf32>
    %sub3A_122 = arith.subf %sub3A_121, %slice3A_120 : vector<512x128xf32>
    %lt3A_123 = arith.cmpf olt, %sub3A_122, %select_n3A_114 : vector<512x128xf32>
    %select_n3A_124 = arith.select %lt3A_123, %sub3A_122, %select_n3A_114 : vector<512x128xi1>, vector<512x128xf32>
    %jit3A_125 = arith.constant 9 : i32
    %broadcast_in_dim3A_126 = vector.broadcast %jit3A_125 : i32 to vector<512x128xi32>
    %select_n3A_127 = arith.select %lt3A_123, %broadcast_in_dim3A_126, %select_n3A_117 : vector<512x128xi1>, vector<512x128xi32>
    %slice3A_128 = vector.extract_strided_slice %get3A_107 {offsets = [256], sizes = [128], strides = [1]} : vector<512xf32> to vector<128xf32>
    %broadcast_in_dim3A_129 = vector.shape_cast %slice3A_128 : vector<128xf32> to vector<1x128xf32>
    %slice3A_130 = vector.extract_strided_slice %dot_general3A_103 {offsets = [0, 256], sizes = [512, 128], strides = [1, 1]} : vector<512x512xf32> to vector<512x128xf32>
    %sub3A_131 = vector.broadcast %broadcast_in_dim3A_129 : vector<1x128xf32> to vector<512x128xf32>
    %sub3A_132 = arith.subf %sub3A_131, %slice3A_130 : vector<512x128xf32>
    %lt3A_133 = arith.cmpf olt, %sub3A_132, %select_n3A_124 : vector<512x128xf32>
    %select_n3A_134 = arith.select %lt3A_133, %sub3A_132, %select_n3A_124 : vector<512x128xi1>, vector<512x128xf32>
    %jit3A_135 = arith.constant 10 : i32
    %broadcast_in_dim3A_136 = vector.broadcast %jit3A_135 : i32 to vector<512x128xi32>
    %select_n3A_137 = arith.select %lt3A_133, %broadcast_in_dim3A_136, %select_n3A_127 : vector<512x128xi1>, vector<512x128xi32>
    %slice3A_138 = vector.extract_strided_slice %get3A_107 {offsets = [384], sizes = [128], strides = [1]} : vector<512xf32> to vector<128xf32>
    %broadcast_in_dim3A_139 = vector.shape_cast %slice3A_138 : vector<128xf32> to vector<1x128xf32>
    %slice3A_140 = vector.extract_strided_slice %dot_general3A_103 {offsets = [0, 384], sizes = [512, 128], strides = [1, 1]} : vector<512x512xf32> to vector<512x128xf32>
    %sub3A_141 = vector.broadcast %broadcast_in_dim3A_139 : vector<1x128xf32> to vector<512x128xf32>
    %sub3A_142 = arith.subf %sub3A_141, %slice3A_140 : vector<512x128xf32>
    %lt3A_143 = arith.cmpf olt, %sub3A_142, %select_n3A_134 : vector<512x128xf32>
    %select_n3A_144 = arith.select %lt3A_143, %sub3A_142, %select_n3A_134 : vector<512x128xi1>, vector<512x128xf32>
    %jit3A_145 = arith.constant 11 : i32
    %broadcast_in_dim3A_146 = vector.broadcast %jit3A_145 : i32 to vector<512x128xi32>
    %select_n3A_147 = arith.select %lt3A_143, %broadcast_in_dim3A_146, %select_n3A_137 : vector<512x128xi1>, vector<512x128xi32>
    %get3A_148 = arith.constant 0 : index
    %get3A_149 = arith.constant 1536 : index
    %get3A_150 = vector.load %arg2[%get3A_148, %get3A_149] : memref<64x8192xf32, #tpu.memory_space<vmem>>, vector<64x512xf32>
    %dot_general3A_151 = arith.constant dense<0.000000e+00> : vector<512x512xf32>
    %dot_general3A_152 = tpu.matmul %get3A_3, %get3A_150, %dot_general3A_151 {dimension_numbers = #tpu.dot_dimension_numbers<[1], [0], [0], [1], [0, 0, 1, 1], [], []>, transpose_lhs_hint = false} : vector<512x64xf32>, vector<64x512xf32>, vector<512x512xf32> -> vector<512x512xf32>
    %get3A_153 = arith.constant 0 : index
    %get3A_154 = arith.constant 1536 : index
    %get3A_155 = vector.load %arg5[%get3A_153, %get3A_154] : memref<1x8192xf32, #tpu.memory_space<vmem>>, vector<1x512xf32>
    %get3A_156 = vector.shape_cast %get3A_155 : vector<1x512xf32> to vector<512xf32>
    %slice3A_157 = vector.extract_strided_slice %get3A_156 {offsets = [0], sizes = [128], strides = [1]} : vector<512xf32> to vector<128xf32>
    %broadcast_in_dim3A_158 = vector.shape_cast %slice3A_157 : vector<128xf32> to vector<1x128xf32>
    %slice3A_159 = vector.extract_strided_slice %dot_general3A_152 {offsets = [0, 0], sizes = [512, 128], strides = [1, 1]} : vector<512x512xf32> to vector<512x128xf32>
    %sub3A_160 = vector.broadcast %broadcast_in_dim3A_158 : vector<1x128xf32> to vector<512x128xf32>
    %sub3A_161 = arith.subf %sub3A_160, %slice3A_159 : vector<512x128xf32>
    %lt3A_162 = arith.cmpf olt, %sub3A_161, %select_n3A_144 : vector<512x128xf32>
    %select_n3A_163 = arith.select %lt3A_162, %sub3A_161, %select_n3A_144 : vector<512x128xi1>, vector<512x128xf32>
    %jit3A_164 = arith.constant 12 : i32
    %broadcast_in_dim3A_165 = vector.broadcast %jit3A_164 : i32 to vector<512x128xi32>
    %select_n3A_166 = arith.select %lt3A_162, %broadcast_in_dim3A_165, %select_n3A_147 : vector<512x128xi1>, vector<512x128xi32>
    %slice3A_167 = vector.extract_strided_slice %get3A_156 {offsets = [128], sizes = [128], strides = [1]} : vector<512xf32> to vector<128xf32>
    %broadcast_in_dim3A_168 = vector.shape_cast %slice3A_167 : vector<128xf32> to vector<1x128xf32>
    %slice3A_169 = vector.extract_strided_slice %dot_general3A_152 {offsets = [0, 128], sizes = [512, 128], strides = [1, 1]} : vector<512x512xf32> to vector<512x128xf32>
    %sub3A_170 = vector.broadcast %broadcast_in_dim3A_168 : vector<1x128xf32> to vector<512x128xf32>
    %sub3A_171 = arith.subf %sub3A_170, %slice3A_169 : vector<512x128xf32>
    %lt3A_172 = arith.cmpf olt, %sub3A_171, %select_n3A_163 : vector<512x128xf32>
    %select_n3A_173 = arith.select %lt3A_172, %sub3A_171, %select_n3A_163 : vector<512x128xi1>, vector<512x128xf32>
    %jit3A_174 = arith.constant 13 : i32
    %broadcast_in_dim3A_175 = vector.broadcast %jit3A_174 : i32 to vector<512x128xi32>
    %select_n3A_176 = arith.select %lt3A_172, %broadcast_in_dim3A_175, %select_n3A_166 : vector<512x128xi1>, vector<512x128xi32>
    %slice3A_177 = vector.extract_strided_slice %get3A_156 {offsets = [256], sizes = [128], strides = [1]} : vector<512xf32> to vector<128xf32>
    %broadcast_in_dim3A_178 = vector.shape_cast %slice3A_177 : vector<128xf32> to vector<1x128xf32>
    %slice3A_179 = vector.extract_strided_slice %dot_general3A_152 {offsets = [0, 256], sizes = [512, 128], strides = [1, 1]} : vector<512x512xf32> to vector<512x128xf32>
    %sub3A_180 = vector.broadcast %broadcast_in_dim3A_178 : vector<1x128xf32> to vector<512x128xf32>
    %sub3A_181 = arith.subf %sub3A_180, %slice3A_179 : vector<512x128xf32>
    %lt3A_182 = arith.cmpf olt, %sub3A_181, %select_n3A_173 : vector<512x128xf32>
    %select_n3A_183 = arith.select %lt3A_182, %sub3A_181, %select_n3A_173 : vector<512x128xi1>, vector<512x128xf32>
    %jit3A_184 = arith.constant 14 : i32
    %broadcast_in_dim3A_185 = vector.broadcast %jit3A_184 : i32 to vector<512x128xi32>
    %select_n3A_186 = arith.select %lt3A_182, %broadcast_in_dim3A_185, %select_n3A_176 : vector<512x128xi1>, vector<512x128xi32>
    %slice3A_187 = vector.extract_strided_slice %get3A_156 {offsets = [384], sizes = [128], strides = [1]} : vector<512xf32> to vector<128xf32>
    %broadcast_in_dim3A_188 = vector.shape_cast %slice3A_187 : vector<128xf32> to vector<1x128xf32>
    %slice3A_189 = vector.extract_strided_slice %dot_general3A_152 {offsets = [0, 384], sizes = [512, 128], strides = [1, 1]} : vector<512x512xf32> to vector<512x128xf32>
    %sub3A_190 = vector.broadcast %broadcast_in_dim3A_188 : vector<1x128xf32> to vector<512x128xf32>
    %sub3A_191 = arith.subf %sub3A_190, %slice3A_189 : vector<512x128xf32>
    %lt3A_192 = arith.cmpf olt, %sub3A_191, %select_n3A_183 : vector<512x128xf32>
    %select_n3A_193 = arith.select %lt3A_192, %sub3A_191, %select_n3A_183 : vector<512x128xi1>, vector<512x128xf32>
    %jit3A_194 = arith.constant 15 : i32
    %broadcast_in_dim3A_195 = vector.broadcast %jit3A_194 : i32 to vector<512x128xi32>
    %select_n3A_196 = arith.select %lt3A_192, %broadcast_in_dim3A_195, %select_n3A_186 : vector<512x128xi1>, vector<512x128xi32>
    %get3A_197 = arith.constant 0 : index
    %get3A_198 = arith.constant 2048 : index
    %get3A_199 = vector.load %arg2[%get3A_197, %get3A_198] : memref<64x8192xf32, #tpu.memory_space<vmem>>, vector<64x512xf32>
    %dot_general3A_200 = arith.constant dense<0.000000e+00> : vector<512x512xf32>
    %dot_general3A_201 = tpu.matmul %get3A_3, %get3A_199, %dot_general3A_200 {dimension_numbers = #tpu.dot_dimension_numbers<[1], [0], [0], [1], [0, 0, 1, 1], [], []>, transpose_lhs_hint = false} : vector<512x64xf32>, vector<64x512xf32>, vector<512x512xf32> -> vector<512x512xf32>
    %get3A_202 = arith.constant 0 : index
    %get3A_203 = arith.constant 2048 : index
    %get3A_204 = vector.load %arg5[%get3A_202, %get3A_203] : memref<1x8192xf32, #tpu.memory_space<vmem>>, vector<1x512xf32>
    %get3A_205 = vector.shape_cast %get3A_204 : vector<1x512xf32> to vector<512xf32>
    %slice3A_206 = vector.extract_strided_slice %get3A_205 {offsets = [0], sizes = [128], strides = [1]} : vector<512xf32> to vector<128xf32>
    %broadcast_in_dim3A_207 = vector.shape_cast %slice3A_206 : vector<128xf32> to vector<1x128xf32>
    %slice3A_208 = vector.extract_strided_slice %dot_general3A_201 {offsets = [0, 0], sizes = [512, 128], strides = [1, 1]} : vector<512x512xf32> to vector<512x128xf32>
    %sub3A_209 = vector.broadcast %broadcast_in_dim3A_207 : vector<1x128xf32> to vector<512x128xf32>
    %sub3A_210 = arith.subf %sub3A_209, %slice3A_208 : vector<512x128xf32>
    %lt3A_211 = arith.cmpf olt, %sub3A_210, %select_n3A_193 : vector<512x128xf32>
    %select_n3A_212 = arith.select %lt3A_211, %sub3A_210, %select_n3A_193 : vector<512x128xi1>, vector<512x128xf32>
    %jit3A_213 = arith.constant 16 : i32
    %broadcast_in_dim3A_214 = vector.broadcast %jit3A_213 : i32 to vector<512x128xi32>
    %select_n3A_215 = arith.select %lt3A_211, %broadcast_in_dim3A_214, %select_n3A_196 : vector<512x128xi1>, vector<512x128xi32>
    %slice3A_216 = vector.extract_strided_slice %get3A_205 {offsets = [128], sizes = [128], strides = [1]} : vector<512xf32> to vector<128xf32>
    %broadcast_in_dim3A_217 = vector.shape_cast %slice3A_216 : vector<128xf32> to vector<1x128xf32>
    %slice3A_218 = vector.extract_strided_slice %dot_general3A_201 {offsets = [0, 128], sizes = [512, 128], strides = [1, 1]} : vector<512x512xf32> to vector<512x128xf32>
    %sub3A_219 = vector.broadcast %broadcast_in_dim3A_217 : vector<1x128xf32> to vector<512x128xf32>
    %sub3A_220 = arith.subf %sub3A_219, %slice3A_218 : vector<512x128xf32>
    %lt3A_221 = arith.cmpf olt, %sub3A_220, %select_n3A_212 : vector<512x128xf32>
    %select_n3A_222 = arith.select %lt3A_221, %sub3A_220, %select_n3A_212 : vector<512x128xi1>, vector<512x128xf32>
    %jit3A_223 = arith.constant 17 : i32
    %broadcast_in_dim3A_224 = vector.broadcast %jit3A_223 : i32 to vector<512x128xi32>
    %select_n3A_225 = arith.select %lt3A_221, %broadcast_in_dim3A_224, %select_n3A_215 : vector<512x128xi1>, vector<512x128xi32>
    %slice3A_226 = vector.extract_strided_slice %get3A_205 {offsets = [256], sizes = [128], strides = [1]} : vector<512xf32> to vector<128xf32>
    %broadcast_in_dim3A_227 = vector.shape_cast %slice3A_226 : vector<128xf32> to vector<1x128xf32>
    %slice3A_228 = vector.extract_strided_slice %dot_general3A_201 {offsets = [0, 256], sizes = [512, 128], strides = [1, 1]} : vector<512x512xf32> to vector<512x128xf32>
    %sub3A_229 = vector.broadcast %broadcast_in_dim3A_227 : vector<1x128xf32> to vector<512x128xf32>
    %sub3A_230 = arith.subf %sub3A_229, %slice3A_228 : vector<512x128xf32>
    %lt3A_231 = arith.cmpf olt, %sub3A_230, %select_n3A_222 : vector<512x128xf32>
    %select_n3A_232 = arith.select %lt3A_231, %sub3A_230, %select_n3A_222 : vector<512x128xi1>, vector<512x128xf32>
    %jit3A_233 = arith.constant 18 : i32
    %broadcast_in_dim3A_234 = vector.broadcast %jit3A_233 : i32 to vector<512x128xi32>
    %select_n3A_235 = arith.select %lt3A_231, %broadcast_in_dim3A_234, %select_n3A_225 : vector<512x128xi1>, vector<512x128xi32>
    %slice3A_236 = vector.extract_strided_slice %get3A_205 {offsets = [384], sizes = [128], strides = [1]} : vector<512xf32> to vector<128xf32>
    %broadcast_in_dim3A_237 = vector.shape_cast %slice3A_236 : vector<128xf32> to vector<1x128xf32>
    %slice3A_238 = vector.extract_strided_slice %dot_general3A_201 {offsets = [0, 384], sizes = [512, 128], strides = [1, 1]} : vector<512x512xf32> to vector<512x128xf32>
    %sub3A_239 = vector.broadcast %broadcast_in_dim3A_237 : vector<1x128xf32> to vector<512x128xf32>
    %sub3A_240 = arith.subf %sub3A_239, %slice3A_238 : vector<512x128xf32>
    %lt3A_241 = arith.cmpf olt, %sub3A_240, %select_n3A_232 : vector<512x128xf32>
    %select_n3A_242 = arith.select %lt3A_241, %sub3A_240, %select_n3A_232 : vector<512x128xi1>, vector<512x128xf32>
    %jit3A_243 = arith.constant 19 : i32
    %broadcast_in_dim3A_244 = vector.broadcast %jit3A_243 : i32 to vector<512x128xi32>
    %select_n3A_245 = arith.select %lt3A_241, %broadcast_in_dim3A_244, %select_n3A_235 : vector<512x128xi1>, vector<512x128xi32>
    %get3A_246 = arith.constant 0 : index
    %get3A_247 = arith.constant 2560 : index
    %get3A_248 = vector.load %arg2[%get3A_246, %get3A_247] : memref<64x8192xf32, #tpu.memory_space<vmem>>, vector<64x512xf32>
    %dot_general3A_249 = arith.constant dense<0.000000e+00> : vector<512x512xf32>
    %dot_general3A_250 = tpu.matmul %get3A_3, %get3A_248, %dot_general3A_249 {dimension_numbers = #tpu.dot_dimension_numbers<[1], [0], [0], [1], [0, 0, 1, 1], [], []>, transpose_lhs_hint = false} : vector<512x64xf32>, vector<64x512xf32>, vector<512x512xf32> -> vector<512x512xf32>
    %get3A_251 = arith.constant 0 : index
    %get3A_252 = arith.constant 2560 : index
    %get3A_253 = vector.load %arg5[%get3A_251, %get3A_252] : memref<1x8192xf32, #tpu.memory_space<vmem>>, vector<1x512xf32>
    %get3A_254 = vector.shape_cast %get3A_253 : vector<1x512xf32> to vector<512xf32>
    %slice3A_255 = vector.extract_strided_slice %get3A_254 {offsets = [0], sizes = [128], strides = [1]} : vector<512xf32> to vector<128xf32>
    %broadcast_in_dim3A_256 = vector.shape_cast %slice3A_255 : vector<128xf32> to vector<1x128xf32>
    %slice3A_257 = vector.extract_strided_slice %dot_general3A_250 {offsets = [0, 0], sizes = [512, 128], strides = [1, 1]} : vector<512x512xf32> to vector<512x128xf32>
    %sub3A_258 = vector.broadcast %broadcast_in_dim3A_256 : vector<1x128xf32> to vector<512x128xf32>
    %sub3A_259 = arith.subf %sub3A_258, %slice3A_257 : vector<512x128xf32>
    %lt3A_260 = arith.cmpf olt, %sub3A_259, %select_n3A_242 : vector<512x128xf32>
    %select_n3A_261 = arith.select %lt3A_260, %sub3A_259, %select_n3A_242 : vector<512x128xi1>, vector<512x128xf32>
    %jit3A_262 = arith.constant 20 : i32
    %broadcast_in_dim3A_263 = vector.broadcast %jit3A_262 : i32 to vector<512x128xi32>
    %select_n3A_264 = arith.select %lt3A_260, %broadcast_in_dim3A_263, %select_n3A_245 : vector<512x128xi1>, vector<512x128xi32>
    %slice3A_265 = vector.extract_strided_slice %get3A_254 {offsets = [128], sizes = [128], strides = [1]} : vector<512xf32> to vector<128xf32>
    %broadcast_in_dim3A_266 = vector.shape_cast %slice3A_265 : vector<128xf32> to vector<1x128xf32>
    %slice3A_267 = vector.extract_strided_slice %dot_general3A_250 {offsets = [0, 128], sizes = [512, 128], strides = [1, 1]} : vector<512x512xf32> to vector<512x128xf32>
    %sub3A_268 = vector.broadcast %broadcast_in_dim3A_266 : vector<1x128xf32> to vector<512x128xf32>
    %sub3A_269 = arith.subf %sub3A_268, %slice3A_267 : vector<512x128xf32>
    %lt3A_270 = arith.cmpf olt, %sub3A_269, %select_n3A_261 : vector<512x128xf32>
    %select_n3A_271 = arith.select %lt3A_270, %sub3A_269, %select_n3A_261 : vector<512x128xi1>, vector<512x128xf32>
    %jit3A_272 = arith.constant 21 : i32
    %broadcast_in_dim3A_273 = vector.broadcast %jit3A_272 : i32 to vector<512x128xi32>
    %select_n3A_274 = arith.select %lt3A_270, %broadcast_in_dim3A_273, %select_n3A_264 : vector<512x128xi1>, vector<512x128xi32>
    %slice3A_275 = vector.extract_strided_slice %get3A_254 {offsets = [256], sizes = [128], strides = [1]} : vector<512xf32> to vector<128xf32>
    %broadcast_in_dim3A_276 = vector.shape_cast %slice3A_275 : vector<128xf32> to vector<1x128xf32>
    %slice3A_277 = vector.extract_strided_slice %dot_general3A_250 {offsets = [0, 256], sizes = [512, 128], strides = [1, 1]} : vector<512x512xf32> to vector<512x128xf32>
    %sub3A_278 = vector.broadcast %broadcast_in_dim3A_276 : vector<1x128xf32> to vector<512x128xf32>
    %sub3A_279 = arith.subf %sub3A_278, %slice3A_277 : vector<512x128xf32>
    %lt3A_280 = arith.cmpf olt, %sub3A_279, %select_n3A_271 : vector<512x128xf32>
    %select_n3A_281 = arith.select %lt3A_280, %sub3A_279, %select_n3A_271 : vector<512x128xi1>, vector<512x128xf32>
    %jit3A_282 = arith.constant 22 : i32
    %broadcast_in_dim3A_283 = vector.broadcast %jit3A_282 : i32 to vector<512x128xi32>
    %select_n3A_284 = arith.select %lt3A_280, %broadcast_in_dim3A_283, %select_n3A_274 : vector<512x128xi1>, vector<512x128xi32>
    %slice3A_285 = vector.extract_strided_slice %get3A_254 {offsets = [384], sizes = [128], strides = [1]} : vector<512xf32> to vector<128xf32>
    %broadcast_in_dim3A_286 = vector.shape_cast %slice3A_285 : vector<128xf32> to vector<1x128xf32>
    %slice3A_287 = vector.extract_strided_slice %dot_general3A_250 {offsets = [0, 384], sizes = [512, 128], strides = [1, 1]} : vector<512x512xf32> to vector<512x128xf32>
    %sub3A_288 = vector.broadcast %broadcast_in_dim3A_286 : vector<1x128xf32> to vector<512x128xf32>
    %sub3A_289 = arith.subf %sub3A_288, %slice3A_287 : vector<512x128xf32>
    %lt3A_290 = arith.cmpf olt, %sub3A_289, %select_n3A_281 : vector<512x128xf32>
    %select_n3A_291 = arith.select %lt3A_290, %sub3A_289, %select_n3A_281 : vector<512x128xi1>, vector<512x128xf32>
    %jit3A_292 = arith.constant 23 : i32
    %broadcast_in_dim3A_293 = vector.broadcast %jit3A_292 : i32 to vector<512x128xi32>
    %select_n3A_294 = arith.select %lt3A_290, %broadcast_in_dim3A_293, %select_n3A_284 : vector<512x128xi1>, vector<512x128xi32>
    %get3A_295 = arith.constant 0 : index
    %get3A_296 = arith.constant 3072 : index
    %get3A_297 = vector.load %arg2[%get3A_295, %get3A_296] : memref<64x8192xf32, #tpu.memory_space<vmem>>, vector<64x512xf32>
    %dot_general3A_298 = arith.constant dense<0.000000e+00> : vector<512x512xf32>
    %dot_general3A_299 = tpu.matmul %get3A_3, %get3A_297, %dot_general3A_298 {dimension_numbers = #tpu.dot_dimension_numbers<[1], [0], [0], [1], [0, 0, 1, 1], [], []>, transpose_lhs_hint = false} : vector<512x64xf32>, vector<64x512xf32>, vector<512x512xf32> -> vector<512x512xf32>
    %get3A_300 = arith.constant 0 : index
    %get3A_301 = arith.constant 3072 : index
    %get3A_302 = vector.load %arg5[%get3A_300, %get3A_301] : memref<1x8192xf32, #tpu.memory_space<vmem>>, vector<1x512xf32>
    %get3A_303 = vector.shape_cast %get3A_302 : vector<1x512xf32> to vector<512xf32>
    %slice3A_304 = vector.extract_strided_slice %get3A_303 {offsets = [0], sizes = [128], strides = [1]} : vector<512xf32> to vector<128xf32>
    %broadcast_in_dim3A_305 = vector.shape_cast %slice3A_304 : vector<128xf32> to vector<1x128xf32>
    %slice3A_306 = vector.extract_strided_slice %dot_general3A_299 {offsets = [0, 0], sizes = [512, 128], strides = [1, 1]} : vector<512x512xf32> to vector<512x128xf32>
    %sub3A_307 = vector.broadcast %broadcast_in_dim3A_305 : vector<1x128xf32> to vector<512x128xf32>
    %sub3A_308 = arith.subf %sub3A_307, %slice3A_306 : vector<512x128xf32>
    %lt3A_309 = arith.cmpf olt, %sub3A_308, %select_n3A_291 : vector<512x128xf32>
    %select_n3A_310 = arith.select %lt3A_309, %sub3A_308, %select_n3A_291 : vector<512x128xi1>, vector<512x128xf32>
    %jit3A_311 = arith.constant 24 : i32
    %broadcast_in_dim3A_312 = vector.broadcast %jit3A_311 : i32 to vector<512x128xi32>
    %select_n3A_313 = arith.select %lt3A_309, %broadcast_in_dim3A_312, %select_n3A_294 : vector<512x128xi1>, vector<512x128xi32>
    %slice3A_314 = vector.extract_strided_slice %get3A_303 {offsets = [128], sizes = [128], strides = [1]} : vector<512xf32> to vector<128xf32>
    %broadcast_in_dim3A_315 = vector.shape_cast %slice3A_314 : vector<128xf32> to vector<1x128xf32>
    %slice3A_316 = vector.extract_strided_slice %dot_general3A_299 {offsets = [0, 128], sizes = [512, 128], strides = [1, 1]} : vector<512x512xf32> to vector<512x128xf32>
    %sub3A_317 = vector.broadcast %broadcast_in_dim3A_315 : vector<1x128xf32> to vector<512x128xf32>
    %sub3A_318 = arith.subf %sub3A_317, %slice3A_316 : vector<512x128xf32>
    %lt3A_319 = arith.cmpf olt, %sub3A_318, %select_n3A_310 : vector<512x128xf32>
    %select_n3A_320 = arith.select %lt3A_319, %sub3A_318, %select_n3A_310 : vector<512x128xi1>, vector<512x128xf32>
    %jit3A_321 = arith.constant 25 : i32
    %broadcast_in_dim3A_322 = vector.broadcast %jit3A_321 : i32 to vector<512x128xi32>
    %select_n3A_323 = arith.select %lt3A_319, %broadcast_in_dim3A_322, %select_n3A_313 : vector<512x128xi1>, vector<512x128xi32>
    %slice3A_324 = vector.extract_strided_slice %get3A_303 {offsets = [256], sizes = [128], strides = [1]} : vector<512xf32> to vector<128xf32>
    %broadcast_in_dim3A_325 = vector.shape_cast %slice3A_324 : vector<128xf32> to vector<1x128xf32>
    %slice3A_326 = vector.extract_strided_slice %dot_general3A_299 {offsets = [0, 256], sizes = [512, 128], strides = [1, 1]} : vector<512x512xf32> to vector<512x128xf32>
    %sub3A_327 = vector.broadcast %broadcast_in_dim3A_325 : vector<1x128xf32> to vector<512x128xf32>
    %sub3A_328 = arith.subf %sub3A_327, %slice3A_326 : vector<512x128xf32>
    %lt3A_329 = arith.cmpf olt, %sub3A_328, %select_n3A_320 : vector<512x128xf32>
    %select_n3A_330 = arith.select %lt3A_329, %sub3A_328, %select_n3A_320 : vector<512x128xi1>, vector<512x128xf32>
    %jit3A_331 = arith.constant 26 : i32
    %broadcast_in_dim3A_332 = vector.broadcast %jit3A_331 : i32 to vector<512x128xi32>
    %select_n3A_333 = arith.select %lt3A_329, %broadcast_in_dim3A_332, %select_n3A_323 : vector<512x128xi1>, vector<512x128xi32>
    %slice3A_334 = vector.extract_strided_slice %get3A_303 {offsets = [384], sizes = [128], strides = [1]} : vector<512xf32> to vector<128xf32>
    %broadcast_in_dim3A_335 = vector.shape_cast %slice3A_334 : vector<128xf32> to vector<1x128xf32>
    %slice3A_336 = vector.extract_strided_slice %dot_general3A_299 {offsets = [0, 384], sizes = [512, 128], strides = [1, 1]} : vector<512x512xf32> to vector<512x128xf32>
    %sub3A_337 = vector.broadcast %broadcast_in_dim3A_335 : vector<1x128xf32> to vector<512x128xf32>
    %sub3A_338 = arith.subf %sub3A_337, %slice3A_336 : vector<512x128xf32>
    %lt3A_339 = arith.cmpf olt, %sub3A_338, %select_n3A_330 : vector<512x128xf32>
    %select_n3A_340 = arith.select %lt3A_339, %sub3A_338, %select_n3A_330 : vector<512x128xi1>, vector<512x128xf32>
    %jit3A_341 = arith.constant 27 : i32
    %broadcast_in_dim3A_342 = vector.broadcast %jit3A_341 : i32 to vector<512x128xi32>
    %select_n3A_343 = arith.select %lt3A_339, %broadcast_in_dim3A_342, %select_n3A_333 : vector<512x128xi1>, vector<512x128xi32>
    %get3A_344 = arith.constant 0 : index
    %get3A_345 = arith.constant 3584 : index
    %get3A_346 = vector.load %arg2[%get3A_344, %get3A_345] : memref<64x8192xf32, #tpu.memory_space<vmem>>, vector<64x512xf32>
    %dot_general3A_347 = arith.constant dense<0.000000e+00> : vector<512x512xf32>
    %dot_general3A_348 = tpu.matmul %get3A_3, %get3A_346, %dot_general3A_347 {dimension_numbers = #tpu.dot_dimension_numbers<[1], [0], [0], [1], [0, 0, 1, 1], [], []>, transpose_lhs_hint = false} : vector<512x64xf32>, vector<64x512xf32>, vector<512x512xf32> -> vector<512x512xf32>
    %get3A_349 = arith.constant 0 : index
    %get3A_350 = arith.constant 3584 : index
    %get3A_351 = vector.load %arg5[%get3A_349, %get3A_350] : memref<1x8192xf32, #tpu.memory_space<vmem>>, vector<1x512xf32>
    %get3A_352 = vector.shape_cast %get3A_351 : vector<1x512xf32> to vector<512xf32>
    %slice3A_353 = vector.extract_strided_slice %get3A_352 {offsets = [0], sizes = [128], strides = [1]} : vector<512xf32> to vector<128xf32>
    %broadcast_in_dim3A_354 = vector.shape_cast %slice3A_353 : vector<128xf32> to vector<1x128xf32>
    %slice3A_355 = vector.extract_strided_slice %dot_general3A_348 {offsets = [0, 0], sizes = [512, 128], strides = [1, 1]} : vector<512x512xf32> to vector<512x128xf32>
    %sub3A_356 = vector.broadcast %broadcast_in_dim3A_354 : vector<1x128xf32> to vector<512x128xf32>
    %sub3A_357 = arith.subf %sub3A_356, %slice3A_355 : vector<512x128xf32>
    %lt3A_358 = arith.cmpf olt, %sub3A_357, %select_n3A_340 : vector<512x128xf32>
    %select_n3A_359 = arith.select %lt3A_358, %sub3A_357, %select_n3A_340 : vector<512x128xi1>, vector<512x128xf32>
    %jit3A_360 = arith.constant 28 : i32
    %broadcast_in_dim3A_361 = vector.broadcast %jit3A_360 : i32 to vector<512x128xi32>
    %select_n3A_362 = arith.select %lt3A_358, %broadcast_in_dim3A_361, %select_n3A_343 : vector<512x128xi1>, vector<512x128xi32>
    %slice3A_363 = vector.extract_strided_slice %get3A_352 {offsets = [128], sizes = [128], strides = [1]} : vector<512xf32> to vector<128xf32>
    %broadcast_in_dim3A_364 = vector.shape_cast %slice3A_363 : vector<128xf32> to vector<1x128xf32>
    %slice3A_365 = vector.extract_strided_slice %dot_general3A_348 {offsets = [0, 128], sizes = [512, 128], strides = [1, 1]} : vector<512x512xf32> to vector<512x128xf32>
    %sub3A_366 = vector.broadcast %broadcast_in_dim3A_364 : vector<1x128xf32> to vector<512x128xf32>
    %sub3A_367 = arith.subf %sub3A_366, %slice3A_365 : vector<512x128xf32>
    %lt3A_368 = arith.cmpf olt, %sub3A_367, %select_n3A_359 : vector<512x128xf32>
    %select_n3A_369 = arith.select %lt3A_368, %sub3A_367, %select_n3A_359 : vector<512x128xi1>, vector<512x128xf32>
    %jit3A_370 = arith.constant 29 : i32
    %broadcast_in_dim3A_371 = vector.broadcast %jit3A_370 : i32 to vector<512x128xi32>
    %select_n3A_372 = arith.select %lt3A_368, %broadcast_in_dim3A_371, %select_n3A_362 : vector<512x128xi1>, vector<512x128xi32>
    %slice3A_373 = vector.extract_strided_slice %get3A_352 {offsets = [256], sizes = [128], strides = [1]} : vector<512xf32> to vector<128xf32>
    %broadcast_in_dim3A_374 = vector.shape_cast %slice3A_373 : vector<128xf32> to vector<1x128xf32>
    %slice3A_375 = vector.extract_strided_slice %dot_general3A_348 {offsets = [0, 256], sizes = [512, 128], strides = [1, 1]} : vector<512x512xf32> to vector<512x128xf32>
    %sub3A_376 = vector.broadcast %broadcast_in_dim3A_374 : vector<1x128xf32> to vector<512x128xf32>
    %sub3A_377 = arith.subf %sub3A_376, %slice3A_375 : vector<512x128xf32>
    %lt3A_378 = arith.cmpf olt, %sub3A_377, %select_n3A_369 : vector<512x128xf32>
    %select_n3A_379 = arith.select %lt3A_378, %sub3A_377, %select_n3A_369 : vector<512x128xi1>, vector<512x128xf32>
    %jit3A_380 = arith.constant 30 : i32
    %broadcast_in_dim3A_381 = vector.broadcast %jit3A_380 : i32 to vector<512x128xi32>
    %select_n3A_382 = arith.select %lt3A_378, %broadcast_in_dim3A_381, %select_n3A_372 : vector<512x128xi1>, vector<512x128xi32>
    %slice3A_383 = vector.extract_strided_slice %get3A_352 {offsets = [384], sizes = [128], strides = [1]} : vector<512xf32> to vector<128xf32>
    %broadcast_in_dim3A_384 = vector.shape_cast %slice3A_383 : vector<128xf32> to vector<1x128xf32>
    %slice3A_385 = vector.extract_strided_slice %dot_general3A_348 {offsets = [0, 384], sizes = [512, 128], strides = [1, 1]} : vector<512x512xf32> to vector<512x128xf32>
    %sub3A_386 = vector.broadcast %broadcast_in_dim3A_384 : vector<1x128xf32> to vector<512x128xf32>
    %sub3A_387 = arith.subf %sub3A_386, %slice3A_385 : vector<512x128xf32>
    %lt3A_388 = arith.cmpf olt, %sub3A_387, %select_n3A_379 : vector<512x128xf32>
    %select_n3A_389 = arith.select %lt3A_388, %sub3A_387, %select_n3A_379 : vector<512x128xi1>, vector<512x128xf32>
    %jit3A_390 = arith.constant 31 : i32
    %broadcast_in_dim3A_391 = vector.broadcast %jit3A_390 : i32 to vector<512x128xi32>
    %select_n3A_392 = arith.select %lt3A_388, %broadcast_in_dim3A_391, %select_n3A_382 : vector<512x128xi1>, vector<512x128xi32>
    %get3A_393 = arith.constant 0 : index
    %get3A_394 = arith.constant 4096 : index
    %get3A_395 = vector.load %arg2[%get3A_393, %get3A_394] : memref<64x8192xf32, #tpu.memory_space<vmem>>, vector<64x512xf32>
    %dot_general3A_396 = arith.constant dense<0.000000e+00> : vector<512x512xf32>
    %dot_general3A_397 = tpu.matmul %get3A_3, %get3A_395, %dot_general3A_396 {dimension_numbers = #tpu.dot_dimension_numbers<[1], [0], [0], [1], [0, 0, 1, 1], [], []>, transpose_lhs_hint = false} : vector<512x64xf32>, vector<64x512xf32>, vector<512x512xf32> -> vector<512x512xf32>
    %get3A_398 = arith.constant 0 : index
    %get3A_399 = arith.constant 4096 : index
    %get3A_400 = vector.load %arg5[%get3A_398, %get3A_399] : memref<1x8192xf32, #tpu.memory_space<vmem>>, vector<1x512xf32>
    %get3A_401 = vector.shape_cast %get3A_400 : vector<1x512xf32> to vector<512xf32>
    %slice3A_402 = vector.extract_strided_slice %get3A_401 {offsets = [0], sizes = [128], strides = [1]} : vector<512xf32> to vector<128xf32>
    %broadcast_in_dim3A_403 = vector.shape_cast %slice3A_402 : vector<128xf32> to vector<1x128xf32>
    %slice3A_404 = vector.extract_strided_slice %dot_general3A_397 {offsets = [0, 0], sizes = [512, 128], strides = [1, 1]} : vector<512x512xf32> to vector<512x128xf32>
    %sub3A_405 = vector.broadcast %broadcast_in_dim3A_403 : vector<1x128xf32> to vector<512x128xf32>
    %sub3A_406 = arith.subf %sub3A_405, %slice3A_404 : vector<512x128xf32>
    %lt3A_407 = arith.cmpf olt, %sub3A_406, %select_n3A_389 : vector<512x128xf32>
    %select_n3A_408 = arith.select %lt3A_407, %sub3A_406, %select_n3A_389 : vector<512x128xi1>, vector<512x128xf32>
    %jit3A_409 = arith.constant 32 : i32
    %broadcast_in_dim3A_410 = vector.broadcast %jit3A_409 : i32 to vector<512x128xi32>
    %select_n3A_411 = arith.select %lt3A_407, %broadcast_in_dim3A_410, %select_n3A_392 : vector<512x128xi1>, vector<512x128xi32>
    %slice3A_412 = vector.extract_strided_slice %get3A_401 {offsets = [128], sizes = [128], strides = [1]} : vector<512xf32> to vector<128xf32>
    %broadcast_in_dim3A_413 = vector.shape_cast %slice3A_412 : vector<128xf32> to vector<1x128xf32>
    %slice3A_414 = vector.extract_strided_slice %dot_general3A_397 {offsets = [0, 128], sizes = [512, 128], strides = [1, 1]} : vector<512x512xf32> to vector<512x128xf32>
    %sub3A_415 = vector.broadcast %broadcast_in_dim3A_413 : vector<1x128xf32> to vector<512x128xf32>
    %sub3A_416 = arith.subf %sub3A_415, %slice3A_414 : vector<512x128xf32>
    %lt3A_417 = arith.cmpf olt, %sub3A_416, %select_n3A_408 : vector<512x128xf32>
    %select_n3A_418 = arith.select %lt3A_417, %sub3A_416, %select_n3A_408 : vector<512x128xi1>, vector<512x128xf32>
    %jit3A_419 = arith.constant 33 : i32
    %broadcast_in_dim3A_420 = vector.broadcast %jit3A_419 : i32 to vector<512x128xi32>
    %select_n3A_421 = arith.select %lt3A_417, %broadcast_in_dim3A_420, %select_n3A_411 : vector<512x128xi1>, vector<512x128xi32>
    %slice3A_422 = vector.extract_strided_slice %get3A_401 {offsets = [256], sizes = [128], strides = [1]} : vector<512xf32> to vector<128xf32>
    %broadcast_in_dim3A_423 = vector.shape_cast %slice3A_422 : vector<128xf32> to vector<1x128xf32>
    %slice3A_424 = vector.extract_strided_slice %dot_general3A_397 {offsets = [0, 256], sizes = [512, 128], strides = [1, 1]} : vector<512x512xf32> to vector<512x128xf32>
    %sub3A_425 = vector.broadcast %broadcast_in_dim3A_423 : vector<1x128xf32> to vector<512x128xf32>
    %sub3A_426 = arith.subf %sub3A_425, %slice3A_424 : vector<512x128xf32>
    %lt3A_427 = arith.cmpf olt, %sub3A_426, %select_n3A_418 : vector<512x128xf32>
    %select_n3A_428 = arith.select %lt3A_427, %sub3A_426, %select_n3A_418 : vector<512x128xi1>, vector<512x128xf32>
    %jit3A_429 = arith.constant 34 : i32
    %broadcast_in_dim3A_430 = vector.broadcast %jit3A_429 : i32 to vector<512x128xi32>
    %select_n3A_431 = arith.select %lt3A_427, %broadcast_in_dim3A_430, %select_n3A_421 : vector<512x128xi1>, vector<512x128xi32>
    %slice3A_432 = vector.extract_strided_slice %get3A_401 {offsets = [384], sizes = [128], strides = [1]} : vector<512xf32> to vector<128xf32>
    %broadcast_in_dim3A_433 = vector.shape_cast %slice3A_432 : vector<128xf32> to vector<1x128xf32>
    %slice3A_434 = vector.extract_strided_slice %dot_general3A_397 {offsets = [0, 384], sizes = [512, 128], strides = [1, 1]} : vector<512x512xf32> to vector<512x128xf32>
    %sub3A_435 = vector.broadcast %broadcast_in_dim3A_433 : vector<1x128xf32> to vector<512x128xf32>
    %sub3A_436 = arith.subf %sub3A_435, %slice3A_434 : vector<512x128xf32>
    %lt3A_437 = arith.cmpf olt, %sub3A_436, %select_n3A_428 : vector<512x128xf32>
    %select_n3A_438 = arith.select %lt3A_437, %sub3A_436, %select_n3A_428 : vector<512x128xi1>, vector<512x128xf32>
    %jit3A_439 = arith.constant 35 : i32
    %broadcast_in_dim3A_440 = vector.broadcast %jit3A_439 : i32 to vector<512x128xi32>
    %select_n3A_441 = arith.select %lt3A_437, %broadcast_in_dim3A_440, %select_n3A_431 : vector<512x128xi1>, vector<512x128xi32>
    %get3A_442 = arith.constant 0 : index
    %get3A_443 = arith.constant 4608 : index
    %get3A_444 = vector.load %arg2[%get3A_442, %get3A_443] : memref<64x8192xf32, #tpu.memory_space<vmem>>, vector<64x512xf32>
    %dot_general3A_445 = arith.constant dense<0.000000e+00> : vector<512x512xf32>
    %dot_general3A_446 = tpu.matmul %get3A_3, %get3A_444, %dot_general3A_445 {dimension_numbers = #tpu.dot_dimension_numbers<[1], [0], [0], [1], [0, 0, 1, 1], [], []>, transpose_lhs_hint = false} : vector<512x64xf32>, vector<64x512xf32>, vector<512x512xf32> -> vector<512x512xf32>
    %get3A_447 = arith.constant 0 : index
    %get3A_448 = arith.constant 4608 : index
    %get3A_449 = vector.load %arg5[%get3A_447, %get3A_448] : memref<1x8192xf32, #tpu.memory_space<vmem>>, vector<1x512xf32>
    %get3A_450 = vector.shape_cast %get3A_449 : vector<1x512xf32> to vector<512xf32>
    %slice3A_451 = vector.extract_strided_slice %get3A_450 {offsets = [0], sizes = [128], strides = [1]} : vector<512xf32> to vector<128xf32>
    %broadcast_in_dim3A_452 = vector.shape_cast %slice3A_451 : vector<128xf32> to vector<1x128xf32>
    %slice3A_453 = vector.extract_strided_slice %dot_general3A_446 {offsets = [0, 0], sizes = [512, 128], strides = [1, 1]} : vector<512x512xf32> to vector<512x128xf32>
    %sub3A_454 = vector.broadcast %broadcast_in_dim3A_452 : vector<1x128xf32> to vector<512x128xf32>
    %sub3A_455 = arith.subf %sub3A_454, %slice3A_453 : vector<512x128xf32>
    %lt3A_456 = arith.cmpf olt, %sub3A_455, %select_n3A_438 : vector<512x128xf32>
    %select_n3A_457 = arith.select %lt3A_456, %sub3A_455, %select_n3A_438 : vector<512x128xi1>, vector<512x128xf32>
    %jit3A_458 = arith.constant 36 : i32
    %broadcast_in_dim3A_459 = vector.broadcast %jit3A_458 : i32 to vector<512x128xi32>
    %select_n3A_460 = arith.select %lt3A_456, %broadcast_in_dim3A_459, %select_n3A_441 : vector<512x128xi1>, vector<512x128xi32>
    %slice3A_461 = vector.extract_strided_slice %get3A_450 {offsets = [128], sizes = [128], strides = [1]} : vector<512xf32> to vector<128xf32>
    %broadcast_in_dim3A_462 = vector.shape_cast %slice3A_461 : vector<128xf32> to vector<1x128xf32>
    %slice3A_463 = vector.extract_strided_slice %dot_general3A_446 {offsets = [0, 128], sizes = [512, 128], strides = [1, 1]} : vector<512x512xf32> to vector<512x128xf32>
    %sub3A_464 = vector.broadcast %broadcast_in_dim3A_462 : vector<1x128xf32> to vector<512x128xf32>
    %sub3A_465 = arith.subf %sub3A_464, %slice3A_463 : vector<512x128xf32>
    %lt3A_466 = arith.cmpf olt, %sub3A_465, %select_n3A_457 : vector<512x128xf32>
    %select_n3A_467 = arith.select %lt3A_466, %sub3A_465, %select_n3A_457 : vector<512x128xi1>, vector<512x128xf32>
    %jit3A_468 = arith.constant 37 : i32
    %broadcast_in_dim3A_469 = vector.broadcast %jit3A_468 : i32 to vector<512x128xi32>
    %select_n3A_470 = arith.select %lt3A_466, %broadcast_in_dim3A_469, %select_n3A_460 : vector<512x128xi1>, vector<512x128xi32>
    %slice3A_471 = vector.extract_strided_slice %get3A_450 {offsets = [256], sizes = [128], strides = [1]} : vector<512xf32> to vector<128xf32>
    %broadcast_in_dim3A_472 = vector.shape_cast %slice3A_471 : vector<128xf32> to vector<1x128xf32>
    %slice3A_473 = vector.extract_strided_slice %dot_general3A_446 {offsets = [0, 256], sizes = [512, 128], strides = [1, 1]} : vector<512x512xf32> to vector<512x128xf32>
    %sub3A_474 = vector.broadcast %broadcast_in_dim3A_472 : vector<1x128xf32> to vector<512x128xf32>
    %sub3A_475 = arith.subf %sub3A_474, %slice3A_473 : vector<512x128xf32>
    %lt3A_476 = arith.cmpf olt, %sub3A_475, %select_n3A_467 : vector<512x128xf32>
    %select_n3A_477 = arith.select %lt3A_476, %sub3A_475, %select_n3A_467 : vector<512x128xi1>, vector<512x128xf32>
    %jit3A_478 = arith.constant 38 : i32
    %broadcast_in_dim3A_479 = vector.broadcast %jit3A_478 : i32 to vector<512x128xi32>
    %select_n3A_480 = arith.select %lt3A_476, %broadcast_in_dim3A_479, %select_n3A_470 : vector<512x128xi1>, vector<512x128xi32>
    %slice3A_481 = vector.extract_strided_slice %get3A_450 {offsets = [384], sizes = [128], strides = [1]} : vector<512xf32> to vector<128xf32>
    %broadcast_in_dim3A_482 = vector.shape_cast %slice3A_481 : vector<128xf32> to vector<1x128xf32>
    %slice3A_483 = vector.extract_strided_slice %dot_general3A_446 {offsets = [0, 384], sizes = [512, 128], strides = [1, 1]} : vector<512x512xf32> to vector<512x128xf32>
    %sub3A_484 = vector.broadcast %broadcast_in_dim3A_482 : vector<1x128xf32> to vector<512x128xf32>
    %sub3A_485 = arith.subf %sub3A_484, %slice3A_483 : vector<512x128xf32>
    %lt3A_486 = arith.cmpf olt, %sub3A_485, %select_n3A_477 : vector<512x128xf32>
    %select_n3A_487 = arith.select %lt3A_486, %sub3A_485, %select_n3A_477 : vector<512x128xi1>, vector<512x128xf32>
    %jit3A_488 = arith.constant 39 : i32
    %broadcast_in_dim3A_489 = vector.broadcast %jit3A_488 : i32 to vector<512x128xi32>
    %select_n3A_490 = arith.select %lt3A_486, %broadcast_in_dim3A_489, %select_n3A_480 : vector<512x128xi1>, vector<512x128xi32>
    %get3A_491 = arith.constant 0 : index
    %get3A_492 = arith.constant 5120 : index
    %get3A_493 = vector.load %arg2[%get3A_491, %get3A_492] : memref<64x8192xf32, #tpu.memory_space<vmem>>, vector<64x512xf32>
    %dot_general3A_494 = arith.constant dense<0.000000e+00> : vector<512x512xf32>
    %dot_general3A_495 = tpu.matmul %get3A_3, %get3A_493, %dot_general3A_494 {dimension_numbers = #tpu.dot_dimension_numbers<[1], [0], [0], [1], [0, 0, 1, 1], [], []>, transpose_lhs_hint = false} : vector<512x64xf32>, vector<64x512xf32>, vector<512x512xf32> -> vector<512x512xf32>
    %get3A_496 = arith.constant 0 : index
    %get3A_497 = arith.constant 5120 : index
    %get3A_498 = vector.load %arg5[%get3A_496, %get3A_497] : memref<1x8192xf32, #tpu.memory_space<vmem>>, vector<1x512xf32>
    %get3A_499 = vector.shape_cast %get3A_498 : vector<1x512xf32> to vector<512xf32>
    %slice3A_500 = vector.extract_strided_slice %get3A_499 {offsets = [0], sizes = [128], strides = [1]} : vector<512xf32> to vector<128xf32>
    %broadcast_in_dim3A_501 = vector.shape_cast %slice3A_500 : vector<128xf32> to vector<1x128xf32>
    %slice3A_502 = vector.extract_strided_slice %dot_general3A_495 {offsets = [0, 0], sizes = [512, 128], strides = [1, 1]} : vector<512x512xf32> to vector<512x128xf32>
    %sub3A_503 = vector.broadcast %broadcast_in_dim3A_501 : vector<1x128xf32> to vector<512x128xf32>
    %sub3A_504 = arith.subf %sub3A_503, %slice3A_502 : vector<512x128xf32>
    %lt3A_505 = arith.cmpf olt, %sub3A_504, %select_n3A_487 : vector<512x128xf32>
    %select_n3A_506 = arith.select %lt3A_505, %sub3A_504, %select_n3A_487 : vector<512x128xi1>, vector<512x128xf32>
    %jit3A_507 = arith.constant 40 : i32
    %broadcast_in_dim3A_508 = vector.broadcast %jit3A_507 : i32 to vector<512x128xi32>
    %select_n3A_509 = arith.select %lt3A_505, %broadcast_in_dim3A_508, %select_n3A_490 : vector<512x128xi1>, vector<512x128xi32>
    %slice3A_510 = vector.extract_strided_slice %get3A_499 {offsets = [128], sizes = [128], strides = [1]} : vector<512xf32> to vector<128xf32>
    %broadcast_in_dim3A_511 = vector.shape_cast %slice3A_510 : vector<128xf32> to vector<1x128xf32>
    %slice3A_512 = vector.extract_strided_slice %dot_general3A_495 {offsets = [0, 128], sizes = [512, 128], strides = [1, 1]} : vector<512x512xf32> to vector<512x128xf32>
    %sub3A_513 = vector.broadcast %broadcast_in_dim3A_511 : vector<1x128xf32> to vector<512x128xf32>
    %sub3A_514 = arith.subf %sub3A_513, %slice3A_512 : vector<512x128xf32>
    %lt3A_515 = arith.cmpf olt, %sub3A_514, %select_n3A_506 : vector<512x128xf32>
    %select_n3A_516 = arith.select %lt3A_515, %sub3A_514, %select_n3A_506 : vector<512x128xi1>, vector<512x128xf32>
    %jit3A_517 = arith.constant 41 : i32
    %broadcast_in_dim3A_518 = vector.broadcast %jit3A_517 : i32 to vector<512x128xi32>
    %select_n3A_519 = arith.select %lt3A_515, %broadcast_in_dim3A_518, %select_n3A_509 : vector<512x128xi1>, vector<512x128xi32>
    %slice3A_520 = vector.extract_strided_slice %get3A_499 {offsets = [256], sizes = [128], strides = [1]} : vector<512xf32> to vector<128xf32>
    %broadcast_in_dim3A_521 = vector.shape_cast %slice3A_520 : vector<128xf32> to vector<1x128xf32>
    %slice3A_522 = vector.extract_strided_slice %dot_general3A_495 {offsets = [0, 256], sizes = [512, 128], strides = [1, 1]} : vector<512x512xf32> to vector<512x128xf32>
    %sub3A_523 = vector.broadcast %broadcast_in_dim3A_521 : vector<1x128xf32> to vector<512x128xf32>
    %sub3A_524 = arith.subf %sub3A_523, %slice3A_522 : vector<512x128xf32>
    %lt3A_525 = arith.cmpf olt, %sub3A_524, %select_n3A_516 : vector<512x128xf32>
    %select_n3A_526 = arith.select %lt3A_525, %sub3A_524, %select_n3A_516 : vector<512x128xi1>, vector<512x128xf32>
    %jit3A_527 = arith.constant 42 : i32
    %broadcast_in_dim3A_528 = vector.broadcast %jit3A_527 : i32 to vector<512x128xi32>
    %select_n3A_529 = arith.select %lt3A_525, %broadcast_in_dim3A_528, %select_n3A_519 : vector<512x128xi1>, vector<512x128xi32>
    %slice3A_530 = vector.extract_strided_slice %get3A_499 {offsets = [384], sizes = [128], strides = [1]} : vector<512xf32> to vector<128xf32>
    %broadcast_in_dim3A_531 = vector.shape_cast %slice3A_530 : vector<128xf32> to vector<1x128xf32>
    %slice3A_532 = vector.extract_strided_slice %dot_general3A_495 {offsets = [0, 384], sizes = [512, 128], strides = [1, 1]} : vector<512x512xf32> to vector<512x128xf32>
    %sub3A_533 = vector.broadcast %broadcast_in_dim3A_531 : vector<1x128xf32> to vector<512x128xf32>
    %sub3A_534 = arith.subf %sub3A_533, %slice3A_532 : vector<512x128xf32>
    %lt3A_535 = arith.cmpf olt, %sub3A_534, %select_n3A_526 : vector<512x128xf32>
    %select_n3A_536 = arith.select %lt3A_535, %sub3A_534, %select_n3A_526 : vector<512x128xi1>, vector<512x128xf32>
    %jit3A_537 = arith.constant 43 : i32
    %broadcast_in_dim3A_538 = vector.broadcast %jit3A_537 : i32 to vector<512x128xi32>
    %select_n3A_539 = arith.select %lt3A_535, %broadcast_in_dim3A_538, %select_n3A_529 : vector<512x128xi1>, vector<512x128xi32>
    %get3A_540 = arith.constant 0 : index
    %get3A_541 = arith.constant 5632 : index
    %get3A_542 = vector.load %arg2[%get3A_540, %get3A_541] : memref<64x8192xf32, #tpu.memory_space<vmem>>, vector<64x512xf32>
    %dot_general3A_543 = arith.constant dense<0.000000e+00> : vector<512x512xf32>
    %dot_general3A_544 = tpu.matmul %get3A_3, %get3A_542, %dot_general3A_543 {dimension_numbers = #tpu.dot_dimension_numbers<[1], [0], [0], [1], [0, 0, 1, 1], [], []>, transpose_lhs_hint = false} : vector<512x64xf32>, vector<64x512xf32>, vector<512x512xf32> -> vector<512x512xf32>
    %get3A_545 = arith.constant 0 : index
    %get3A_546 = arith.constant 5632 : index
    %get3A_547 = vector.load %arg5[%get3A_545, %get3A_546] : memref<1x8192xf32, #tpu.memory_space<vmem>>, vector<1x512xf32>
    %get3A_548 = vector.shape_cast %get3A_547 : vector<1x512xf32> to vector<512xf32>
    %slice3A_549 = vector.extract_strided_slice %get3A_548 {offsets = [0], sizes = [128], strides = [1]} : vector<512xf32> to vector<128xf32>
    %broadcast_in_dim3A_550 = vector.shape_cast %slice3A_549 : vector<128xf32> to vector<1x128xf32>
    %slice3A_551 = vector.extract_strided_slice %dot_general3A_544 {offsets = [0, 0], sizes = [512, 128], strides = [1, 1]} : vector<512x512xf32> to vector<512x128xf32>
    %sub3A_552 = vector.broadcast %broadcast_in_dim3A_550 : vector<1x128xf32> to vector<512x128xf32>
    %sub3A_553 = arith.subf %sub3A_552, %slice3A_551 : vector<512x128xf32>
    %lt3A_554 = arith.cmpf olt, %sub3A_553, %select_n3A_536 : vector<512x128xf32>
    %select_n3A_555 = arith.select %lt3A_554, %sub3A_553, %select_n3A_536 : vector<512x128xi1>, vector<512x128xf32>
    %jit3A_556 = arith.constant 44 : i32
    %broadcast_in_dim3A_557 = vector.broadcast %jit3A_556 : i32 to vector<512x128xi32>
    %select_n3A_558 = arith.select %lt3A_554, %broadcast_in_dim3A_557, %select_n3A_539 : vector<512x128xi1>, vector<512x128xi32>
    %slice3A_559 = vector.extract_strided_slice %get3A_548 {offsets = [128], sizes = [128], strides = [1]} : vector<512xf32> to vector<128xf32>
    %broadcast_in_dim3A_560 = vector.shape_cast %slice3A_559 : vector<128xf32> to vector<1x128xf32>
    %slice3A_561 = vector.extract_strided_slice %dot_general3A_544 {offsets = [0, 128], sizes = [512, 128], strides = [1, 1]} : vector<512x512xf32> to vector<512x128xf32>
    %sub3A_562 = vector.broadcast %broadcast_in_dim3A_560 : vector<1x128xf32> to vector<512x128xf32>
    %sub3A_563 = arith.subf %sub3A_562, %slice3A_561 : vector<512x128xf32>
    %lt3A_564 = arith.cmpf olt, %sub3A_563, %select_n3A_555 : vector<512x128xf32>
    %select_n3A_565 = arith.select %lt3A_564, %sub3A_563, %select_n3A_555 : vector<512x128xi1>, vector<512x128xf32>
    %jit3A_566 = arith.constant 45 : i32
    %broadcast_in_dim3A_567 = vector.broadcast %jit3A_566 : i32 to vector<512x128xi32>
    %select_n3A_568 = arith.select %lt3A_564, %broadcast_in_dim3A_567, %select_n3A_558 : vector<512x128xi1>, vector<512x128xi32>
    %slice3A_569 = vector.extract_strided_slice %get3A_548 {offsets = [256], sizes = [128], strides = [1]} : vector<512xf32> to vector<128xf32>
    %broadcast_in_dim3A_570 = vector.shape_cast %slice3A_569 : vector<128xf32> to vector<1x128xf32>
    %slice3A_571 = vector.extract_strided_slice %dot_general3A_544 {offsets = [0, 256], sizes = [512, 128], strides = [1, 1]} : vector<512x512xf32> to vector<512x128xf32>
    %sub3A_572 = vector.broadcast %broadcast_in_dim3A_570 : vector<1x128xf32> to vector<512x128xf32>
    %sub3A_573 = arith.subf %sub3A_572, %slice3A_571 : vector<512x128xf32>
    %lt3A_574 = arith.cmpf olt, %sub3A_573, %select_n3A_565 : vector<512x128xf32>
    %select_n3A_575 = arith.select %lt3A_574, %sub3A_573, %select_n3A_565 : vector<512x128xi1>, vector<512x128xf32>
    %jit3A_576 = arith.constant 46 : i32
    %broadcast_in_dim3A_577 = vector.broadcast %jit3A_576 : i32 to vector<512x128xi32>
    %select_n3A_578 = arith.select %lt3A_574, %broadcast_in_dim3A_577, %select_n3A_568 : vector<512x128xi1>, vector<512x128xi32>
    %slice3A_579 = vector.extract_strided_slice %get3A_548 {offsets = [384], sizes = [128], strides = [1]} : vector<512xf32> to vector<128xf32>
    %broadcast_in_dim3A_580 = vector.shape_cast %slice3A_579 : vector<128xf32> to vector<1x128xf32>
    %slice3A_581 = vector.extract_strided_slice %dot_general3A_544 {offsets = [0, 384], sizes = [512, 128], strides = [1, 1]} : vector<512x512xf32> to vector<512x128xf32>
    %sub3A_582 = vector.broadcast %broadcast_in_dim3A_580 : vector<1x128xf32> to vector<512x128xf32>
    %sub3A_583 = arith.subf %sub3A_582, %slice3A_581 : vector<512x128xf32>
    %lt3A_584 = arith.cmpf olt, %sub3A_583, %select_n3A_575 : vector<512x128xf32>
    %select_n3A_585 = arith.select %lt3A_584, %sub3A_583, %select_n3A_575 : vector<512x128xi1>, vector<512x128xf32>
    %jit3A_586 = arith.constant 47 : i32
    %broadcast_in_dim3A_587 = vector.broadcast %jit3A_586 : i32 to vector<512x128xi32>
    %select_n3A_588 = arith.select %lt3A_584, %broadcast_in_dim3A_587, %select_n3A_578 : vector<512x128xi1>, vector<512x128xi32>
    %get3A_589 = arith.constant 0 : index
    %get3A_590 = arith.constant 6144 : index
    %get3A_591 = vector.load %arg2[%get3A_589, %get3A_590] : memref<64x8192xf32, #tpu.memory_space<vmem>>, vector<64x512xf32>
    %dot_general3A_592 = arith.constant dense<0.000000e+00> : vector<512x512xf32>
    %dot_general3A_593 = tpu.matmul %get3A_3, %get3A_591, %dot_general3A_592 {dimension_numbers = #tpu.dot_dimension_numbers<[1], [0], [0], [1], [0, 0, 1, 1], [], []>, transpose_lhs_hint = false} : vector<512x64xf32>, vector<64x512xf32>, vector<512x512xf32> -> vector<512x512xf32>
    %get3A_594 = arith.constant 0 : index
    %get3A_595 = arith.constant 6144 : index
    %get3A_596 = vector.load %arg5[%get3A_594, %get3A_595] : memref<1x8192xf32, #tpu.memory_space<vmem>>, vector<1x512xf32>
    %get3A_597 = vector.shape_cast %get3A_596 : vector<1x512xf32> to vector<512xf32>
    %slice3A_598 = vector.extract_strided_slice %get3A_597 {offsets = [0], sizes = [128], strides = [1]} : vector<512xf32> to vector<128xf32>
    %broadcast_in_dim3A_599 = vector.shape_cast %slice3A_598 : vector<128xf32> to vector<1x128xf32>
    %slice3A_600 = vector.extract_strided_slice %dot_general3A_593 {offsets = [0, 0], sizes = [512, 128], strides = [1, 1]} : vector<512x512xf32> to vector<512x128xf32>
    %sub3A_601 = vector.broadcast %broadcast_in_dim3A_599 : vector<1x128xf32> to vector<512x128xf32>
    %sub3A_602 = arith.subf %sub3A_601, %slice3A_600 : vector<512x128xf32>
    %lt3A_603 = arith.cmpf olt, %sub3A_602, %select_n3A_585 : vector<512x128xf32>
    %select_n3A_604 = arith.select %lt3A_603, %sub3A_602, %select_n3A_585 : vector<512x128xi1>, vector<512x128xf32>
    %jit3A_605 = arith.constant 48 : i32
    %broadcast_in_dim3A_606 = vector.broadcast %jit3A_605 : i32 to vector<512x128xi32>
    %select_n3A_607 = arith.select %lt3A_603, %broadcast_in_dim3A_606, %select_n3A_588 : vector<512x128xi1>, vector<512x128xi32>
    %slice3A_608 = vector.extract_strided_slice %get3A_597 {offsets = [128], sizes = [128], strides = [1]} : vector<512xf32> to vector<128xf32>
    %broadcast_in_dim3A_609 = vector.shape_cast %slice3A_608 : vector<128xf32> to vector<1x128xf32>
    %slice3A_610 = vector.extract_strided_slice %dot_general3A_593 {offsets = [0, 128], sizes = [512, 128], strides = [1, 1]} : vector<512x512xf32> to vector<512x128xf32>
    %sub3A_611 = vector.broadcast %broadcast_in_dim3A_609 : vector<1x128xf32> to vector<512x128xf32>
    %sub3A_612 = arith.subf %sub3A_611, %slice3A_610 : vector<512x128xf32>
    %lt3A_613 = arith.cmpf olt, %sub3A_612, %select_n3A_604 : vector<512x128xf32>
    %select_n3A_614 = arith.select %lt3A_613, %sub3A_612, %select_n3A_604 : vector<512x128xi1>, vector<512x128xf32>
    %jit3A_615 = arith.constant 49 : i32
    %broadcast_in_dim3A_616 = vector.broadcast %jit3A_615 : i32 to vector<512x128xi32>
    %select_n3A_617 = arith.select %lt3A_613, %broadcast_in_dim3A_616, %select_n3A_607 : vector<512x128xi1>, vector<512x128xi32>
    %slice3A_618 = vector.extract_strided_slice %get3A_597 {offsets = [256], sizes = [128], strides = [1]} : vector<512xf32> to vector<128xf32>
    %broadcast_in_dim3A_619 = vector.shape_cast %slice3A_618 : vector<128xf32> to vector<1x128xf32>
    %slice3A_620 = vector.extract_strided_slice %dot_general3A_593 {offsets = [0, 256], sizes = [512, 128], strides = [1, 1]} : vector<512x512xf32> to vector<512x128xf32>
    %sub3A_621 = vector.broadcast %broadcast_in_dim3A_619 : vector<1x128xf32> to vector<512x128xf32>
    %sub3A_622 = arith.subf %sub3A_621, %slice3A_620 : vector<512x128xf32>
    %lt3A_623 = arith.cmpf olt, %sub3A_622, %select_n3A_614 : vector<512x128xf32>
    %select_n3A_624 = arith.select %lt3A_623, %sub3A_622, %select_n3A_614 : vector<512x128xi1>, vector<512x128xf32>
    %jit3A_625 = arith.constant 50 : i32
    %broadcast_in_dim3A_626 = vector.broadcast %jit3A_625 : i32 to vector<512x128xi32>
    %select_n3A_627 = arith.select %lt3A_623, %broadcast_in_dim3A_626, %select_n3A_617 : vector<512x128xi1>, vector<512x128xi32>
    %slice3A_628 = vector.extract_strided_slice %get3A_597 {offsets = [384], sizes = [128], strides = [1]} : vector<512xf32> to vector<128xf32>
    %broadcast_in_dim3A_629 = vector.shape_cast %slice3A_628 : vector<128xf32> to vector<1x128xf32>
    %slice3A_630 = vector.extract_strided_slice %dot_general3A_593 {offsets = [0, 384], sizes = [512, 128], strides = [1, 1]} : vector<512x512xf32> to vector<512x128xf32>
    %sub3A_631 = vector.broadcast %broadcast_in_dim3A_629 : vector<1x128xf32> to vector<512x128xf32>
    %sub3A_632 = arith.subf %sub3A_631, %slice3A_630 : vector<512x128xf32>
    %lt3A_633 = arith.cmpf olt, %sub3A_632, %select_n3A_624 : vector<512x128xf32>
    %select_n3A_634 = arith.select %lt3A_633, %sub3A_632, %select_n3A_624 : vector<512x128xi1>, vector<512x128xf32>
    %jit3A_635 = arith.constant 51 : i32
    %broadcast_in_dim3A_636 = vector.broadcast %jit3A_635 : i32 to vector<512x128xi32>
    %select_n3A_637 = arith.select %lt3A_633, %broadcast_in_dim3A_636, %select_n3A_627 : vector<512x128xi1>, vector<512x128xi32>
    %get3A_638 = arith.constant 0 : index
    %get3A_639 = arith.constant 6656 : index
    %get3A_640 = vector.load %arg2[%get3A_638, %get3A_639] : memref<64x8192xf32, #tpu.memory_space<vmem>>, vector<64x512xf32>
    %dot_general3A_641 = arith.constant dense<0.000000e+00> : vector<512x512xf32>
    %dot_general3A_642 = tpu.matmul %get3A_3, %get3A_640, %dot_general3A_641 {dimension_numbers = #tpu.dot_dimension_numbers<[1], [0], [0], [1], [0, 0, 1, 1], [], []>, transpose_lhs_hint = false} : vector<512x64xf32>, vector<64x512xf32>, vector<512x512xf32> -> vector<512x512xf32>
    %get3A_643 = arith.constant 0 : index
    %get3A_644 = arith.constant 6656 : index
    %get3A_645 = vector.load %arg5[%get3A_643, %get3A_644] : memref<1x8192xf32, #tpu.memory_space<vmem>>, vector<1x512xf32>
    %get3A_646 = vector.shape_cast %get3A_645 : vector<1x512xf32> to vector<512xf32>
    %slice3A_647 = vector.extract_strided_slice %get3A_646 {offsets = [0], sizes = [128], strides = [1]} : vector<512xf32> to vector<128xf32>
    %broadcast_in_dim3A_648 = vector.shape_cast %slice3A_647 : vector<128xf32> to vector<1x128xf32>
    %slice3A_649 = vector.extract_strided_slice %dot_general3A_642 {offsets = [0, 0], sizes = [512, 128], strides = [1, 1]} : vector<512x512xf32> to vector<512x128xf32>
    %sub3A_650 = vector.broadcast %broadcast_in_dim3A_648 : vector<1x128xf32> to vector<512x128xf32>
    %sub3A_651 = arith.subf %sub3A_650, %slice3A_649 : vector<512x128xf32>
    %lt3A_652 = arith.cmpf olt, %sub3A_651, %select_n3A_634 : vector<512x128xf32>
    %select_n3A_653 = arith.select %lt3A_652, %sub3A_651, %select_n3A_634 : vector<512x128xi1>, vector<512x128xf32>
    %jit3A_654 = arith.constant 52 : i32
    %broadcast_in_dim3A_655 = vector.broadcast %jit3A_654 : i32 to vector<512x128xi32>
    %select_n3A_656 = arith.select %lt3A_652, %broadcast_in_dim3A_655, %select_n3A_637 : vector<512x128xi1>, vector<512x128xi32>
    %slice3A_657 = vector.extract_strided_slice %get3A_646 {offsets = [128], sizes = [128], strides = [1]} : vector<512xf32> to vector<128xf32>
    %broadcast_in_dim3A_658 = vector.shape_cast %slice3A_657 : vector<128xf32> to vector<1x128xf32>
    %slice3A_659 = vector.extract_strided_slice %dot_general3A_642 {offsets = [0, 128], sizes = [512, 128], strides = [1, 1]} : vector<512x512xf32> to vector<512x128xf32>
    %sub3A_660 = vector.broadcast %broadcast_in_dim3A_658 : vector<1x128xf32> to vector<512x128xf32>
    %sub3A_661 = arith.subf %sub3A_660, %slice3A_659 : vector<512x128xf32>
    %lt3A_662 = arith.cmpf olt, %sub3A_661, %select_n3A_653 : vector<512x128xf32>
    %select_n3A_663 = arith.select %lt3A_662, %sub3A_661, %select_n3A_653 : vector<512x128xi1>, vector<512x128xf32>
    %jit3A_664 = arith.constant 53 : i32
    %broadcast_in_dim3A_665 = vector.broadcast %jit3A_664 : i32 to vector<512x128xi32>
    %select_n3A_666 = arith.select %lt3A_662, %broadcast_in_dim3A_665, %select_n3A_656 : vector<512x128xi1>, vector<512x128xi32>
    %slice3A_667 = vector.extract_strided_slice %get3A_646 {offsets = [256], sizes = [128], strides = [1]} : vector<512xf32> to vector<128xf32>
    %broadcast_in_dim3A_668 = vector.shape_cast %slice3A_667 : vector<128xf32> to vector<1x128xf32>
    %slice3A_669 = vector.extract_strided_slice %dot_general3A_642 {offsets = [0, 256], sizes = [512, 128], strides = [1, 1]} : vector<512x512xf32> to vector<512x128xf32>
    %sub3A_670 = vector.broadcast %broadcast_in_dim3A_668 : vector<1x128xf32> to vector<512x128xf32>
    %sub3A_671 = arith.subf %sub3A_670, %slice3A_669 : vector<512x128xf32>
    %lt3A_672 = arith.cmpf olt, %sub3A_671, %select_n3A_663 : vector<512x128xf32>
    %select_n3A_673 = arith.select %lt3A_672, %sub3A_671, %select_n3A_663 : vector<512x128xi1>, vector<512x128xf32>
    %jit3A_674 = arith.constant 54 : i32
    %broadcast_in_dim3A_675 = vector.broadcast %jit3A_674 : i32 to vector<512x128xi32>
    %select_n3A_676 = arith.select %lt3A_672, %broadcast_in_dim3A_675, %select_n3A_666 : vector<512x128xi1>, vector<512x128xi32>
    %slice3A_677 = vector.extract_strided_slice %get3A_646 {offsets = [384], sizes = [128], strides = [1]} : vector<512xf32> to vector<128xf32>
    %broadcast_in_dim3A_678 = vector.shape_cast %slice3A_677 : vector<128xf32> to vector<1x128xf32>
    %slice3A_679 = vector.extract_strided_slice %dot_general3A_642 {offsets = [0, 384], sizes = [512, 128], strides = [1, 1]} : vector<512x512xf32> to vector<512x128xf32>
    %sub3A_680 = vector.broadcast %broadcast_in_dim3A_678 : vector<1x128xf32> to vector<512x128xf32>
    %sub3A_681 = arith.subf %sub3A_680, %slice3A_679 : vector<512x128xf32>
    %lt3A_682 = arith.cmpf olt, %sub3A_681, %select_n3A_673 : vector<512x128xf32>
    %select_n3A_683 = arith.select %lt3A_682, %sub3A_681, %select_n3A_673 : vector<512x128xi1>, vector<512x128xf32>
    %jit3A_684 = arith.constant 55 : i32
    %broadcast_in_dim3A_685 = vector.broadcast %jit3A_684 : i32 to vector<512x128xi32>
    %select_n3A_686 = arith.select %lt3A_682, %broadcast_in_dim3A_685, %select_n3A_676 : vector<512x128xi1>, vector<512x128xi32>
    %get3A_687 = arith.constant 0 : index
    %get3A_688 = arith.constant 7168 : index
    %get3A_689 = vector.load %arg2[%get3A_687, %get3A_688] : memref<64x8192xf32, #tpu.memory_space<vmem>>, vector<64x512xf32>
    %dot_general3A_690 = arith.constant dense<0.000000e+00> : vector<512x512xf32>
    %dot_general3A_691 = tpu.matmul %get3A_3, %get3A_689, %dot_general3A_690 {dimension_numbers = #tpu.dot_dimension_numbers<[1], [0], [0], [1], [0, 0, 1, 1], [], []>, transpose_lhs_hint = false} : vector<512x64xf32>, vector<64x512xf32>, vector<512x512xf32> -> vector<512x512xf32>
    %get3A_692 = arith.constant 0 : index
    %get3A_693 = arith.constant 7168 : index
    %get3A_694 = vector.load %arg5[%get3A_692, %get3A_693] : memref<1x8192xf32, #tpu.memory_space<vmem>>, vector<1x512xf32>
    %get3A_695 = vector.shape_cast %get3A_694 : vector<1x512xf32> to vector<512xf32>
    %slice3A_696 = vector.extract_strided_slice %get3A_695 {offsets = [0], sizes = [128], strides = [1]} : vector<512xf32> to vector<128xf32>
    %broadcast_in_dim3A_697 = vector.shape_cast %slice3A_696 : vector<128xf32> to vector<1x128xf32>
    %slice3A_698 = vector.extract_strided_slice %dot_general3A_691 {offsets = [0, 0], sizes = [512, 128], strides = [1, 1]} : vector<512x512xf32> to vector<512x128xf32>
    %sub3A_699 = vector.broadcast %broadcast_in_dim3A_697 : vector<1x128xf32> to vector<512x128xf32>
    %sub3A_700 = arith.subf %sub3A_699, %slice3A_698 : vector<512x128xf32>
    %lt3A_701 = arith.cmpf olt, %sub3A_700, %select_n3A_683 : vector<512x128xf32>
    %select_n3A_702 = arith.select %lt3A_701, %sub3A_700, %select_n3A_683 : vector<512x128xi1>, vector<512x128xf32>
    %jit3A_703 = arith.constant 56 : i32
    %broadcast_in_dim3A_704 = vector.broadcast %jit3A_703 : i32 to vector<512x128xi32>
    %select_n3A_705 = arith.select %lt3A_701, %broadcast_in_dim3A_704, %select_n3A_686 : vector<512x128xi1>, vector<512x128xi32>
    %slice3A_706 = vector.extract_strided_slice %get3A_695 {offsets = [128], sizes = [128], strides = [1]} : vector<512xf32> to vector<128xf32>
    %broadcast_in_dim3A_707 = vector.shape_cast %slice3A_706 : vector<128xf32> to vector<1x128xf32>
    %slice3A_708 = vector.extract_strided_slice %dot_general3A_691 {offsets = [0, 128], sizes = [512, 128], strides = [1, 1]} : vector<512x512xf32> to vector<512x128xf32>
    %sub3A_709 = vector.broadcast %broadcast_in_dim3A_707 : vector<1x128xf32> to vector<512x128xf32>
    %sub3A_710 = arith.subf %sub3A_709, %slice3A_708 : vector<512x128xf32>
    %lt3A_711 = arith.cmpf olt, %sub3A_710, %select_n3A_702 : vector<512x128xf32>
    %select_n3A_712 = arith.select %lt3A_711, %sub3A_710, %select_n3A_702 : vector<512x128xi1>, vector<512x128xf32>
    %jit3A_713 = arith.constant 57 : i32
    %broadcast_in_dim3A_714 = vector.broadcast %jit3A_713 : i32 to vector<512x128xi32>
    %select_n3A_715 = arith.select %lt3A_711, %broadcast_in_dim3A_714, %select_n3A_705 : vector<512x128xi1>, vector<512x128xi32>
    %slice3A_716 = vector.extract_strided_slice %get3A_695 {offsets = [256], sizes = [128], strides = [1]} : vector<512xf32> to vector<128xf32>
    %broadcast_in_dim3A_717 = vector.shape_cast %slice3A_716 : vector<128xf32> to vector<1x128xf32>
    %slice3A_718 = vector.extract_strided_slice %dot_general3A_691 {offsets = [0, 256], sizes = [512, 128], strides = [1, 1]} : vector<512x512xf32> to vector<512x128xf32>
    %sub3A_719 = vector.broadcast %broadcast_in_dim3A_717 : vector<1x128xf32> to vector<512x128xf32>
    %sub3A_720 = arith.subf %sub3A_719, %slice3A_718 : vector<512x128xf32>
    %lt3A_721 = arith.cmpf olt, %sub3A_720, %select_n3A_712 : vector<512x128xf32>
    %select_n3A_722 = arith.select %lt3A_721, %sub3A_720, %select_n3A_712 : vector<512x128xi1>, vector<512x128xf32>
    %jit3A_723 = arith.constant 58 : i32
    %broadcast_in_dim3A_724 = vector.broadcast %jit3A_723 : i32 to vector<512x128xi32>
    %select_n3A_725 = arith.select %lt3A_721, %broadcast_in_dim3A_724, %select_n3A_715 : vector<512x128xi1>, vector<512x128xi32>
    %slice3A_726 = vector.extract_strided_slice %get3A_695 {offsets = [384], sizes = [128], strides = [1]} : vector<512xf32> to vector<128xf32>
    %broadcast_in_dim3A_727 = vector.shape_cast %slice3A_726 : vector<128xf32> to vector<1x128xf32>
    %slice3A_728 = vector.extract_strided_slice %dot_general3A_691 {offsets = [0, 384], sizes = [512, 128], strides = [1, 1]} : vector<512x512xf32> to vector<512x128xf32>
    %sub3A_729 = vector.broadcast %broadcast_in_dim3A_727 : vector<1x128xf32> to vector<512x128xf32>
    %sub3A_730 = arith.subf %sub3A_729, %slice3A_728 : vector<512x128xf32>
    %lt3A_731 = arith.cmpf olt, %sub3A_730, %select_n3A_722 : vector<512x128xf32>
    %select_n3A_732 = arith.select %lt3A_731, %sub3A_730, %select_n3A_722 : vector<512x128xi1>, vector<512x128xf32>
    %jit3A_733 = arith.constant 59 : i32
    %broadcast_in_dim3A_734 = vector.broadcast %jit3A_733 : i32 to vector<512x128xi32>
    %select_n3A_735 = arith.select %lt3A_731, %broadcast_in_dim3A_734, %select_n3A_725 : vector<512x128xi1>, vector<512x128xi32>
    %get3A_736 = arith.constant 0 : index
    %get3A_737 = arith.constant 7680 : index
    %get3A_738 = vector.load %arg2[%get3A_736, %get3A_737] : memref<64x8192xf32, #tpu.memory_space<vmem>>, vector<64x512xf32>
    %dot_general3A_739 = arith.constant dense<0.000000e+00> : vector<512x512xf32>
    %dot_general3A_740 = tpu.matmul %get3A_3, %get3A_738, %dot_general3A_739 {dimension_numbers = #tpu.dot_dimension_numbers<[1], [0], [0], [1], [0, 0, 1, 1], [], []>, transpose_lhs_hint = false} : vector<512x64xf32>, vector<64x512xf32>, vector<512x512xf32> -> vector<512x512xf32>
    %get3A_741 = arith.constant 0 : index
    %get3A_742 = arith.constant 7680 : index
    %get3A_743 = vector.load %arg5[%get3A_741, %get3A_742] : memref<1x8192xf32, #tpu.memory_space<vmem>>, vector<1x512xf32>
    %get3A_744 = vector.shape_cast %get3A_743 : vector<1x512xf32> to vector<512xf32>
    %slice3A_745 = vector.extract_strided_slice %get3A_744 {offsets = [0], sizes = [128], strides = [1]} : vector<512xf32> to vector<128xf32>
    %broadcast_in_dim3A_746 = vector.shape_cast %slice3A_745 : vector<128xf32> to vector<1x128xf32>
    %slice3A_747 = vector.extract_strided_slice %dot_general3A_740 {offsets = [0, 0], sizes = [512, 128], strides = [1, 1]} : vector<512x512xf32> to vector<512x128xf32>
    %sub3A_748 = vector.broadcast %broadcast_in_dim3A_746 : vector<1x128xf32> to vector<512x128xf32>
    %sub3A_749 = arith.subf %sub3A_748, %slice3A_747 : vector<512x128xf32>
    %lt3A_750 = arith.cmpf olt, %sub3A_749, %select_n3A_732 : vector<512x128xf32>
    %select_n3A_751 = arith.select %lt3A_750, %sub3A_749, %select_n3A_732 : vector<512x128xi1>, vector<512x128xf32>
    %jit3A_752 = arith.constant 60 : i32
    %broadcast_in_dim3A_753 = vector.broadcast %jit3A_752 : i32 to vector<512x128xi32>
    %select_n3A_754 = arith.select %lt3A_750, %broadcast_in_dim3A_753, %select_n3A_735 : vector<512x128xi1>, vector<512x128xi32>
    %slice3A_755 = vector.extract_strided_slice %get3A_744 {offsets = [128], sizes = [128], strides = [1]} : vector<512xf32> to vector<128xf32>
    %broadcast_in_dim3A_756 = vector.shape_cast %slice3A_755 : vector<128xf32> to vector<1x128xf32>
    %slice3A_757 = vector.extract_strided_slice %dot_general3A_740 {offsets = [0, 128], sizes = [512, 128], strides = [1, 1]} : vector<512x512xf32> to vector<512x128xf32>
    %sub3A_758 = vector.broadcast %broadcast_in_dim3A_756 : vector<1x128xf32> to vector<512x128xf32>
    %sub3A_759 = arith.subf %sub3A_758, %slice3A_757 : vector<512x128xf32>
    %lt3A_760 = arith.cmpf olt, %sub3A_759, %select_n3A_751 : vector<512x128xf32>
    %select_n3A_761 = arith.select %lt3A_760, %sub3A_759, %select_n3A_751 : vector<512x128xi1>, vector<512x128xf32>
    %jit3A_762 = arith.constant 61 : i32
    %broadcast_in_dim3A_763 = vector.broadcast %jit3A_762 : i32 to vector<512x128xi32>
    %select_n3A_764 = arith.select %lt3A_760, %broadcast_in_dim3A_763, %select_n3A_754 : vector<512x128xi1>, vector<512x128xi32>
    %slice3A_765 = vector.extract_strided_slice %get3A_744 {offsets = [256], sizes = [128], strides = [1]} : vector<512xf32> to vector<128xf32>
    %broadcast_in_dim3A_766 = vector.shape_cast %slice3A_765 : vector<128xf32> to vector<1x128xf32>
    %slice3A_767 = vector.extract_strided_slice %dot_general3A_740 {offsets = [0, 256], sizes = [512, 128], strides = [1, 1]} : vector<512x512xf32> to vector<512x128xf32>
    %sub3A_768 = vector.broadcast %broadcast_in_dim3A_766 : vector<1x128xf32> to vector<512x128xf32>
    %sub3A_769 = arith.subf %sub3A_768, %slice3A_767 : vector<512x128xf32>
    %lt3A_770 = arith.cmpf olt, %sub3A_769, %select_n3A_761 : vector<512x128xf32>
    %select_n3A_771 = arith.select %lt3A_770, %sub3A_769, %select_n3A_761 : vector<512x128xi1>, vector<512x128xf32>
    %jit3A_772 = arith.constant 62 : i32
    %broadcast_in_dim3A_773 = vector.broadcast %jit3A_772 : i32 to vector<512x128xi32>
    %select_n3A_774 = arith.select %lt3A_770, %broadcast_in_dim3A_773, %select_n3A_764 : vector<512x128xi1>, vector<512x128xi32>
    %slice3A_775 = vector.extract_strided_slice %get3A_744 {offsets = [384], sizes = [128], strides = [1]} : vector<512xf32> to vector<128xf32>
    %broadcast_in_dim3A_776 = vector.shape_cast %slice3A_775 : vector<128xf32> to vector<1x128xf32>
    %slice3A_777 = vector.extract_strided_slice %dot_general3A_740 {offsets = [0, 384], sizes = [512, 128], strides = [1, 1]} : vector<512x512xf32> to vector<512x128xf32>
    %sub3A_778 = vector.broadcast %broadcast_in_dim3A_776 : vector<1x128xf32> to vector<512x128xf32>
    %sub3A_779 = arith.subf %sub3A_778, %slice3A_777 : vector<512x128xf32>
    %lt3A_780 = arith.cmpf olt, %sub3A_779, %select_n3A_771 : vector<512x128xf32>
    %select_n3A_781 = arith.select %lt3A_780, %sub3A_779, %select_n3A_771 : vector<512x128xi1>, vector<512x128xf32>
    %jit3A_782 = arith.constant 63 : i32
    %broadcast_in_dim3A_783 = vector.broadcast %jit3A_782 : i32 to vector<512x128xi32>
    %select_n3A_784 = arith.select %lt3A_780, %broadcast_in_dim3A_783, %select_n3A_774 : vector<512x128xi1>, vector<512x128xi32>
    %iota3A = tpu.iota {dimensions = array<i32: 1>} : vector<512x128xi32>
    %mul3A = arith.constant 128 : i32
    %mul3A_785 = vector.broadcast %mul3A : i32 to vector<512x128xi32>
    %mul3A_786 = arith.muli %select_n3A_784, %mul3A_785 : vector<512x128xi32>
    %add3A = arith.addi %mul3A_786, %iota3A : vector<512x128xi32>
    %reduce_min3A = arith.constant dense<0x7F800000> : vector<512xf32>
    %reduce_min3A_787 = vector.multi_reduction <minimumf>, %select_n3A_781, %reduce_min3A [1] : vector<512x128xf32> to vector<512xf32>
    %broadcast_in_dim3A_788 = vector.shape_cast %reduce_min3A_787 : vector<512xf32> to vector<512x1xf32>
    %eq3A_789 = vector.broadcast %broadcast_in_dim3A_788 : vector<512x1xf32> to vector<512x128xf32>
    %eq3A_790 = arith.cmpf oeq, %select_n3A_781, %eq3A_789 : vector<512x128xf32>
    %jit3A_791 = arith.constant 8192 : i32
    %broadcast_in_dim3A_792 = vector.broadcast %jit3A_791 : i32 to vector<512x128xi32>
    %select_n3A_793 = arith.select %eq3A_790, %add3A, %broadcast_in_dim3A_792 : vector<512x128xi1>, vector<512x128xi32>
    %reduce_min3A_794 = arith.constant dense<2147483647> : vector<512xi32>
    %reduce_min3A_795 = vector.multi_reduction <minsi>, %select_n3A_793, %reduce_min3A_794 [1] : vector<512x128xi32> to vector<512xi32>
    %swap3A = arith.constant 0 : index
    %swap3A_796 = arith.constant 0 : index
    %swap3A_797 = arith.constant 0 : index
    %swap3A_798 = vector.load %arg3[%swap3A, %swap3A_796, %swap3A_797] : memref<1x1x512xi32, #tpu.memory_space<vmem>>, vector<1x1x512xi32>
    %swap3A_799 = vector.shape_cast %swap3A_798 : vector<1x1x512xi32> to vector<512xi32>
    %swap3A_800 = vector.shape_cast %reduce_min3A_795 : vector<512xi32> to vector<1x1x512xi32>
    tpu.vector_store %arg3[%swap3A, %swap3A_796, %swap3A_797], %swap3A_800 {strides = array<i32>} : memref<1x1x512xi32, #tpu.memory_space<vmem>>, vector<1x1x512xi32>,
    %mul3A_801 = arith.mulf %get3A_3, %get3A_3 : vector<512x64xf32>
    %reduce_sum3A = arith.constant dense<0.000000e+00> : vector<512xf32>
    %reduce_sum3A_802 = vector.multi_reduction <add>, %mul3A_801, %reduce_sum3A [1] : vector<512x64xf32> to vector<512xf32>
    %get3A_803 = arith.constant 0 : index
    %get3A_804 = arith.constant 0 : index
    %get3A_805 = memref.load %arg4[%get3A_803, %get3A_804] : memref<1x1xf32, #tpu.memory_space<smem>>
    %mul3A_806 = arith.constant 2.000000e+00 : f32
    %mul3A_807 = vector.broadcast %mul3A_806 : f32 to vector<512xf32>
    %mul3A_808 = arith.mulf %mul3A_807, %reduce_min3A_787 : vector<512xf32>
    %add3A_809 = arith.addf %reduce_sum3A_802, %mul3A_808 : vector<512xf32>
    %reduce_sum3A_810 = vector.shape_cast %add3A_809 : vector<512xf32> to vector<1x512xf32>
    %reduce_sum3A_811 = arith.constant dense<0.000000e+00> : vector<1xf32>
    %reduce_sum3A_812 = vector.multi_reduction <add>, %reduce_sum3A_810, %reduce_sum3A_811 [1] : vector<1x512xf32> to vector<1xf32>
    %reduce_sum3A_813 = vector.shape_cast %reduce_sum3A_812 : vector<1xf32> to vector<1x1xf32>
    %reduce_sum3A_814 = vector.extract %reduce_sum3A_813[0, 0] : f32 from vector<1x1xf32>
    %add3A_815 = arith.addf %get3A_805, %reduce_sum3A_814 : f32
    %swap3A_816 = arith.constant 0 : index
    %swap3A_817 = arith.constant 0 : index
    %swap3A_818 = memref.load %arg4[%swap3A_816, %swap3A_817] : memref<1x1xf32, #tpu.memory_space<smem>>
    memref.store %add3A_815, %arg4[%swap3A_816, %swap3A_817] : memref<1x1xf32, #tpu.memory_space<smem>>
    %eq3A_819 = arith.constant 17 : i32
    %eq3A_820 = arith.cmpi eq, %arg0, %eq3A_819 : i32
    %convert_element_type3A_821 = arith.extui %eq3A_820 : i1 to i32
    %cond3A_822 = arith.constant 0 : i32
    %cond3A_823 = arith.cmpi ne, %convert_element_type3A_821, %cond3A_822 : i32
    scf.if %cond3A_823 {
      %get3A_824 = arith.constant 0 : index
      %get3A_825 = arith.constant 0 : index
      %get3A_826 = memref.load %arg4[%get3A_824, %get3A_825] : memref<1x1xf32, #tpu.memory_space<smem>>
      %mul3A_827 = arith.constant 4.23855255E-7 : f32
      %mul3A_828 = arith.mulf %get3A_826, %mul3A_827 : f32
      %swap3A_829 = arith.constant 0 : index
      %swap3A_830 = arith.constant 0 : index
      %swap3A_831 = memref.load %arg4[%swap3A_829, %swap3A_830] : memref<1x1xf32, #tpu.memory_space<smem>>
      memref.store %mul3A_828, %arg4[%swap3A_829, %swap3A_830] : memref<1x1xf32, #tpu.memory_space<smem>>
    } else {
    }
    return
  }
  func.func @transform_0(%arg0: i32) -> (i32, i32) {
    %c0_i32 = arith.constant 0 : i32
    %c0_i32_0 = arith.constant 0 : i32
    return %arg0, %c0_i32 : i32, i32
  }
  func.func @transform_1(%arg0: i32) -> (i32, i32) {
    %c0_i32 = arith.constant 0 : i32
    %c0_i32_0 = arith.constant 0 : i32
    %c0_i32_1 = arith.constant 0 : i32
    return %c0_i32, %c0_i32_0 : i32, i32
  }
  func.func @transform_2(%arg0: i32) -> (i32, i32, i32) {
    %c0_i32 = arith.constant 0 : i32
    %c0_i32_0 = arith.constant 0 : i32
    %c0_i32_1 = arith.constant 0 : i32
    return %arg0, %c0_i32, %c0_i32_0 : i32, i32, i32
  }
  func.func @transform_3(%arg0: i32) -> (i32, i32) {
    %c0_i32 = arith.constant 0 : i32
    %c0_i32_0 = arith.constant 0 : i32
    %c0_i32_1 = arith.constant 0 : i32
    return %c0_i32, %c0_i32_0 : i32, i32
  }
}

</mosaic_0001>

<sc_bundles>
// kernel: kernel.4.cloned.1.call-start
scs
__scs_entry_jumppad:
0x0: {  	(pc) =	sbr.rel $0x88, $3  }
0x1: {  	(tag) =	ssettag $0x0;
	lr =	simm.s32 $0x1  }
0x2: {  	[smem:$0x3F9F] =	sst lr;
	_ =	strace $0xD0000000  }
0x3: {  	_ = 	snop  }
0x4: {  	_ = 	snop  }
0x5: {  	_ = 	snop  }
0x6: {  	_ = 	snop  }
0x7: {  	_ = 	snop  }
__scs_overlays_trampoline_lowered:
0x8: {  	[smem:$0x3FAE] =	sst s0  }
0x9: {  	[smem:$0x3FAF] =	sst s1  }
0xa: {  	[smem:$0x3FB0] =	sst s2  }
0xb: {  	[smem:$0x3FB1] =	sst s3  }
0xc: {  	[smem:$0x3FB2] =	sst s4  }
0xd: {  	[smem:$0x3FB3] =	sst s5  }
0xe: {  	[smem:$0x3FB4] =	sst s6  }
0xf: {  	[smem:$0x3FB5] =	sst s7  }
0x10: {  	[smem:$0x3FB6] =	sst s8  }
0x11: {  	[smem:$0x3FB7] =	sst s9;
	s0 =	simm.s32 @!p0 $0x0  }
0x12: {  	s1 =	sld [smem:$0x3F9D];
	s0 =	simm.s32 @p0 $0x1  }
0x13: {  	[smem:$0x3FB8] =	sst s0;
	s0 =	simm.s32 @!p1 $0x0  }
0x14: {  	s2 =	sld [smem:$0x3F9C];
	s0 =	simm.s32 @p1 $0x1  }
0x15: {  	[smem:$0x3FB9] =	sst s0;
	s0 =	simm.s32 @!p2 $0x0  }
0x16: {  	s3 =	sld [smem:$0x3FDB];
	s0 =	simm.s32 @p2 $0x1  }
0x17: {  	s4 =	simm.s32 $0x1BF5;
	[smem:$0x3FBB] =	sst s0  }
0x18: {  	s0 =	sld [smem:$0x3F9E];
	_ =	swait.ge [sflag:s4], $0x0  }
0x19: {  	s7 =	sld [smem:$0x3F9F]  }
0x1a: {  	s8 =	sadd.s32 $0xFFFFE003, lr  }
0x1b: {  	s9 =	sadd.s32 $0xFFFFFEF7, lr;
	s5 =	simm.s32 $0xFFFFFFFF;
	p2 =	slt.u32 s8, $0xFFFFF086  }
0x1c: {  	p1 =	slt.u32 s9, $0xF7A;
	s5 =	simm.s32 @!p2 $0x0  }
0x1d: {  	s5 =	simm.s32 @p1 $0x1;
	p0 =	seq.s32 s7, s2  }
0x1e: {  	s7 =	smul.u32 @!p0 $0xF7A, s2;
	p2 =	seq.s32 @!p0 s5, $0x0  }
0x1f: {  	s9 =	smul.u32 $0xF7A, s1;
	s8 =	simm.s32 @!p0 $0x1BF5;
	p2 =	por !p2, p0  }
0x20: {  	[sflag:s8] =	ssyncset.s32 @!p0 $0xFFFFF086;
	s6 =	sadd.s32 @!p0 s3, s7;
	s7 =	simm.s32 @!p0 $0x108  }
0x21: {  	s3 =	sadd.s32 s3, s9;
	s6 =	sadd.s32 @!p0 $0x88, s6;
	s7 =	simm.s32 @p2 $0x1082  }
0x22: {  	[simem:s7], [sflag:s8] =	dma.local @!p0 [hbm:s6], $0xF7A  }
0x23: {  	s9 =	sor.u32 $0xD0000000, s2;
	s6 =	simm.s32 $0x108;
	_ =	swait.ge @!p0 [sflag:s8], $0x0  }
0x24: {  	s3 =	sadd.s32 $0x88, s3;
	s6 =	simm.s32 @!p1 $0x1082;
	[sflag:s4] =	ssyncset.s32 $0xFFFFF086  }
0x25: {  	[simem:s6], [sflag:s4] =	dma.local [hbm:s3], $0xF7A  }
0x26: {  	[smem:$0x3F9F] =	sst s1;
	(tag) =	ssettag s2;
	_ =	strace s9  }
0x27: {  	s1 =	sld [smem:$0x3FAF]  }
0x28: {  	s2 =	sld [smem:$0x3FB0]  }
0x29: {  	s4 =	sld [smem:$0x3FB2]  }
0x2a: {  	p0 =	seq.s32 s5, $0x0;
	s5 =	sld [smem:$0x3FB3]  }
0x2b: {  	s6 =	sld [smem:$0x3FB4]  }
0x2c: {  	s7 =	sld [smem:$0x3FB5]  }
0x2d: {  	s3 =	simm.s32 $0x108;
	s8 =	sld [smem:$0x3FB6]  }
0x2e: {  	s3 =	simm.s32 @!p0 $0x1082;
	s9 =	sld [smem:$0x3FB7]  }
0x2f: {  	lr =	sadd.s32 s0, s3;
	s0 =	sld [smem:$0x3FAE]  }
0x30: {  	s3 =	sld [smem:$0x3FB1]  }
0x31: {  	[smem:$0x3FBA] =	sst s10  }
0x32: {  	s10 =	sld [smem:$0x3FB8];
	_ =	sdelay $0x3  }
0x33: {  	p0 =	seq.s32 s10, $0x1;
	s10 =	sld [smem:$0x3FBA];
	_ =	sdelay $0x3  }
0x34: {  	[smem:$0x3FBA] =	sst s10  }
0x35: {  	s10 =	sld [smem:$0x3FB9];
	_ =	sdelay $0x3  }
0x36: {  	p1 =	seq.s32 s10, $0x1;
	s10 =	sld [smem:$0x3FBA];
	_ =	sdelay $0x3  }
0x37: {  	[smem:$0x3FBA] =	sst s10  }
0x38: {  	s10 =	sld [smem:$0x3FBB]  }
0x39: {  	_ = 	snop;
	(pc) =	sbr.ind lr, $3  }
0x3a: {  	_ = 	snop  }
0x3b: {  	_ = 	snop  }
0x3c: {  	p2 =	seq.s32 s10, $0x1;
	s10 =	sld [smem:$0x3FBA]  }
0x3d: {  	_ =	shalt  }
0x3e: {  	_ =	shalt  }
0x3f: {  	_ =	shalt  }
0x40: {  	_ =	shalt  }
0x41: {  	_ =	shalt  }
0x42: {  	_ =	shalt  }
0x43: {  	_ =	shalt  }
0x44: {  	_ =	shalt  }
0x45: {  	_ =	shalt  }
0x46: {  	_ =	shalt  }
0x47: {  	_ =	shalt  }
0x48: {  	_ =	shalt  }
0x49: {  	_ =	shalt  }
0x4a: {  	_ =	shalt  }
0x4b: {  	_ =	shalt  }
0x4c: {  	_ =	shalt  }
0x4d: {  	_ =	shalt  }
0x4e: {  	_ =	shalt  }
0x4f: {  	_ =	shalt  }
0x50: {  	_ =	shalt  }
0x51: {  	_ =	shalt  }
0x52: {  	_ =	shalt  }
0x53: {  	_ =	shalt  }
0x54: {  	_ =	shalt  }
0x55: {  	_ =	shalt  }
0x56: {  	_ =	shalt  }
0x57: {  	_ =	shalt  }
0x58: {  	_ =	shalt  }
0x59: {  	_ =	shalt  }
0x5a: {  	_ =	shalt  }
0x5b: {  	_ =	shalt  }
0x5c: {  	_ =	shalt  }
0x5d: {  	_ =	shalt  }
0x5e: {  	_ =	shalt  }
0x5f: {  	_ =	shalt  }
0x60: {  	_ =	shalt  }
0x61: {  	_ =	shalt  }
0x62: {  	_ =	shalt  }
0x63: {  	_ =	shalt  }
0x64: {  	_ =	shalt  }
0x65: {  	_ =	shalt  }
0x66: {  	_ =	shalt  }
0x67: {  	_ =	shalt  }
0x68: {  	_ =	shalt  }
0x69: {  	_ =	shalt  }
0x6a: {  	_ =	shalt  }
0x6b: {  	_ =	shalt  }
0x6c: {  	_ =	shalt  }
0x6d: {  	_ =	shalt  }
0x6e: {  	_ =	shalt  }
0x6f: {  	_ =	shalt  }
0x70: {  	_ =	shalt  }
0x71: {  	_ =	shalt  }
0x72: {  	_ =	shalt  }
0x73: {  	_ =	shalt  }
0x74: {  	_ =	shalt  }
0x75: {  	_ =	shalt  }
0x76: {  	_ =	shalt  }
0x77: {  	_ =	shalt  }
0x78: {  	_ =	shalt  }
0x79: {  	_ =	shalt  }
0x7a: {  	_ =	shalt  }
0x7b: {  	_ =	shalt  }
0x7c: {  	_ =	shalt  }
0x7d: {  	_ =	shalt  }
0x7e: {  	_ =	shalt  }
0x7f: {  	_ =	shalt  }
0x80: {  	_ =	shalt  }
0x81: {  	_ =	shalt  }
0x82: {  	_ =	shalt  }
0x83: {  	_ =	shalt  }
0x84: {  	_ =	shalt  }
0x85: {  	_ =	shalt  }
0x86: {  	_ =	shalt  }
0x87: {  	_ =	shalt  }
.Lfunc_end0:
.L_simem_size_0:
called_computation_lowered:
.L_overlay_start_0:
0x88: {  	s2 =	sld [smem:$0x3FD9]  }
0x89: {  	s3 =	sld [smem:$0x3FFE];
	_ =	sdelay $0x1  }
0x8a: {  	s1 =	srdreg.scid  }
0x8b: {  	s0 =	sand.u32 $0x1, s1  }
0x8c: {  	s14 =	sshll.u32 s0, $0xA;
	s2 =	sadd.s32 s3, s2  }
0x8d: {  	s2 =	sadd.s32 s2, s14  }
0x8e: {  	[smem:$0x3FC6] =	sst s2  }
0x8f: {  	_ = 	snop  }
0x90: {  	s2 =	sld [smem:$0x3FD0];
	_ =	sdelay $0x2  }
0x91: {  	s15 =	simm.s32 $0xA;
	s4 =	simm.s32 $0x10  }
0x92: {  	[smem:s4], [sflag:s15] =	dma.local [hbm:s2], $0x1  }
0x93: {  	_ =	swait.eq [sflag:s15], $0x1  }
0x94: {  	[sflag:s15] =	ssyncset.done $0x0  }
0x95: {  	[sflag:s15] =	ssyncadd.s32 $0xFFFFFFFF  }
0x96: {  	s16 =	sld [smem:$0x12];
	(tm) =	ssettm $0x1  }
0x97: {  	s17 =	sld [smem:$0x3FFB];
	_ =	sdelay $0x3  }
0x98: {  	_ =	strace s17  }
0x99: {  	s3 =	sld [smem:$0x3FFC];
	_ =	sdelay $0x3  }
0x9a: {  	_ =	strace s3  }
0x9b: {  	s3 =	sld [smem:$0x3FFD];
	_ =	sdelay $0x3  }
0x9c: {  	_ =	strace s3  }
0x9d: {  	_ =	strace $0x8FFFFFFF  }
0x9e: {  	s18 =	sld [smem:$0x3FDB];
	_ =	sdelay $0x1  }
0x9f: {  	s19 =	simm.s32 $_scs_section_size  }
0xa0: {  	s5 =	simm.s32 $_size__tile_overlayer_lowered;
	s6 =	simm.s32 $_tile_overlayer_lowered  }
0xa1: {  	s22 =	simm.s32 $0x1BFF;
	s21 =	sshll.u32 s6, $0x1;
	s3 =	sadd.s32 s19, s18  }
0xa2: {  	s7 =	simm.s32 $0x0;
	s20 =	sshll.u32 s5, $0x1;
	s5 =	sadd.s32 s21, s3  }
0xa3: {  	[timem:s7], [sflag:s22] =	dma.local [hbm:s5], s20  }
0xa4: {  	_ =	swait.ge [sflag:s22], s20  }
0xa5: {  	s4 =	ssub.s32 $0x0, s20;
	[sflag:s22] =	ssyncset.done $0x0  }
0xa6: {  	[sflag:s22] =	ssyncadd.s32 s4;
	_ =	sdelay $0x1  }
0xa7: {  	s23 =	simm.s32 $0x1B8B  }
0xa8: {  	_ =	swait.ge [sflag:s23], $0x1  }
0xa9: {  	[sflag:s23] =	ssyncset.done $0x0  }
0xaa: {  	s25 =	simm.s32 $0x1B8E;
	s24 =	sld [smem:$0x3FFE];
	[sflag:s23] =	ssyncadd.s32 $0xFFFFFFFF  }
0xab: {  	s26 =	simm.s32 $execute0_lowered;
	[smem:$0x3FD2] =	sst s25  }
0xac: {  	s5 =	sshll.u32 s26, $0x1;
	_ =	strace $0x80000046;
	[dreg:$0x1] =	wrdreg $0xFFFFFFFF  }
0xad: {  	s28 =	simm.s32 $_size_execute0_lowered;
	s3 =	sadd.s32 s3, s5;
	[dreg:$0x0] =	wrdreg $0x0  }
0xae: {  	s5 =	sshll.u32 s28, $0x1;
	[dreg:$0x2] =	wrdreg s3  }
0xaf: {  	[dreg:$0x3] =	wrdreg s5  }
0xb0: {  	[dreg:$0x4] =	wrdreg $0xC0  }
0xb1: {  	_ =	task [dreg:s7], $0x5FFFF  }
0xb2: {  	[dreg:$0x1] =	wrdreg $0xFFFFFFFF  }
0xb3: {  	[dreg:$0x0] =	wrdreg $0x60  }
0xb4: {  	[dreg:$0x2] =	wrdreg s16  }
0xb5: {  	[dreg:$0x3] =	wrdreg s24  }
0xb6: {  	[dreg:$0x4] =	wrdreg $0x9  }
0xb7: {  	_ =	task.clear_ibuf [dreg:s7], $0x5FFFF;
	_ =	strace $0x90000046  }
0xb8: {  	s29 =	simm.s32 $0x9;
	_ =	strace $0x80000048  }
0xb9: {  	_ =	swait.ge [sflag:s29], $0x1  }
0xba: {  	[sflag:s29] =	ssyncadd.s32 $0xFFFFFFFF  }
0xbb: {  	_ =	strace $0x90000048  }
0xbc: {  	_ =	sfence  }
0xbd: {  	s30 =	sld [smem:$0x0];
	_ =	sdelay $0x2  }
0xbe: {  	s31 =	sshll.u32 s1, $0xD;
	s1 =	sshrl.u32 s1, $0x2  }
0xbf: {  	s3 =	sand.u32 $0x4000, s31;
	s1 =	sadd.s32 s1, s30  }
0xc0: {  	s0 =	sor.u32 s3, s0;
	s1 =	sshll.u32 s1, $0x11  }
0xc1: {  	s0 =	sor.u32 s1, s0  }
0xc2: {  	s0 =	sadd.s32 $0x8F2B, s0  }
0xc3: {  	[sflag:s0] =	ssyncadd.remote.s32 $0x1  }
0xc4: {  	_ =	sfence.sel $0xFFFF  }
0xc5: {  	[dreg:$0x0] =	wrdreg $0xFFFFFFFF;
	(pc) =	sbr.abs _section_cstart, $3  }
0xc6: {  	[dreg:$0x1] =	wrdreg $0xFFFFFFFF  }
0xc7: {  	_ =	task.clear_ibuf [dreg:s7], $0x2FFFF;
	_ =	strace $0x9FFFFFFF  }
0xc8: {  	(tm) =	ssettm $0x7FFFFFFF  }
0xc9: {  	_ =	shalt  }
tec
execute0_lowered:
.L_overlay_start_1:
0x0: {  	(tag) =	ssettag $0x1  }
0x1: {  	s1 =	srdreg.scid;
	s0 =	stileid.u32  }
0x2: {  	s3 =	rddreg [dreg:$0x0];
	s12 =	sand.u32 $0x1, s1;
	s29 =	sshll.u32 s0, $0x1  }
0x3: {  	s13 =	rddreg [dreg:$0x1];
	s14 =	sor.u32 s12, s29  }
0x4: {  	s2 =	simm.s32 $0x0;
	s1 =	rddreg [dreg:$0x2];
	s4 =	smul.u32 $0x24, s14  }
0x5: {  	[smem:$0x7FF] =	sst s2  }
0x6: {  	_ =	strace $0x80000047;
	s4 =	sadd.s32 s3, s4;
	s3 =	simm.s32 $0x2  }
0x7: {  	[tilespmem:s2], [sflag:$0x2] =	stream.linear.gather [hbm4b:s4+s2], $0x120, $0x38;
	[tilespmem:$0x9180] =	vst v63  }
0x8: {  	_ =	swait.ge [sflag:s3], $0x120  }
0x9: {  	s6 =	simm.s32 $0x60;
	[sflag:s3] =	ssyncset.done $0x0  }
0xa: {  	s7 =	simm.s32 $0x180;
	s5 =	sadd.s32 $0xA00, s13;
	[sflag:s3] =	ssyncadd.s32 $0xFFFFFEE0  }
0xb: {  	[tilespmem:s7], [sflag:$0x1] =	stream.indirect.gather [hbm4b:s5+s6], $0x80, s2, s6, $0xb8;
	[tilespmem:$0x9180] =	vst v63  }
0xc: {  	s8 =	simm.s32 $0x3180  }
0xd: {  	[tilespmem:s8], [sflag:$0x1] =	stream.indirect.gather [hbm4b:s5+s6], $0x80, s6, s6, $0xb8;
	[tilespmem:$0x9180] =	vst v63  }
0xe: {  	s9 =	simm.s32 $0xC0;
	s10 =	simm.s32 $0x6180;
	s11 =	simm.s32 $0x1  }
0xf: {  	[tilespmem:s10], [sflag:$0x1] =	stream.indirect.gather [hbm4b:s5+s6], $0x80, s9, s6, $0xb8;
	[tilespmem:$0x9180] =	vst v63  }
0x10: {  	_ =	swait.ge [sflag:s11], $0x3000  }
0x11: {  	[sflag:s11] =	ssyncset.done $0x0  }
0x12: {  	s12 =	ssub.s32 $0x2, s12;
	[sflag:s11] =	ssyncadd.s32 $0xFFFFD000  }
0x13: {  	s15 =	sshrl.u32 s12, $0x1;
	_ =	swait.ge [sflag:s11], $0x3000  }
0x14: {  	s30 =	ssub.s32 s12, s15;
	[sflag:s11] =	ssyncset.done $0x0  }
0x15: {  	s14 =	smul.u32 $0x1200, s14;
	s31 =	smax.u32 s30, $0x1;
	[sflag:s11] =	ssyncadd.s32 $0xFFFFD000  }
0x16: {  	p0 =	sne.s32 s31, $0x1;
	_ =	swait.ge [sflag:s11], $0x3000  }
.Ltmp0:
0x17: {  	s13 =	sadd.s32 s14, s13;
	[sflag:s11] =	ssyncset.done $0x0;
	(pc) =	sbr.rel @!p0 .LBB2_2-.Ltmp0, $4  }
0x18: {  	s12 =	sadd.s32 $0x20A00, s13;
	[sflag:s11] =	ssyncadd.s32 $0xFFFFD000  }
0x19: {  	[hbm4b:s12+s2] =	stream.linear.scatter [tilespmem:s7], [sflag:$0x2], $0x9000, $0x38;
	[tilespmem:$0x9180] =	vst v63  }
0x1a: {  	_ =	swait.ge [sflag:s3], $0x9000  }
0x1b: {  	s13 =	sadd.s32 $0xFFFFFFFF, s31;
	[sflag:s3] =	ssyncset.done $0x0  }
.LBB2_1:
0x1c: {  	p0 =	sne.s32 s13, $0x1;
	s13 =	sadd.s32 $0xFFFFFFFF, s13;
	[sflag:s3] =	ssyncadd.s32 $0xFFFF7000  }
0x1d: {  	[tilespmem:s2], [sflag:$0x2] =	stream.linear.gather [hbm4b:s4+s2], $0x120, $0x38;
	[tilespmem:$0x9180] =	vst v63  }
0x1e: {  	_ =	swait.ge [sflag:s3], $0x120  }
0x1f: {  	[sflag:s3] =	ssyncset.done $0x0  }
0x20: {  	[sflag:s3] =	ssyncadd.s32 $0xFFFFFEE0  }
0x21: {  	[tilespmem:s7], [sflag:$0x1] =	stream.indirect.gather [hbm4b:s5+s6], $0x80, s2, s6, $0xb8;
	[tilespmem:$0x9180] =	vst v63  }
0x22: {  	_ = 	snop  }
0x23: {  	[tilespmem:s8], [sflag:$0x1] =	stream.indirect.gather [hbm4b:s5+s6], $0x80, s6, s6, $0xb8;
	[tilespmem:$0x9180] =	vst v63  }
0x24: {  	_ = 	snop  }
0x25: {  	[tilespmem:s10], [sflag:$0x1] =	stream.indirect.gather [hbm4b:s5+s6], $0x80, s9, s6, $0xb8;
	[tilespmem:$0x9180] =	vst v63  }
0x26: {  	_ =	swait.ge [sflag:s11], $0x3000  }
0x27: {  	[sflag:s11] =	ssyncset.done $0x0  }
0x28: {  	[sflag:s11] =	ssyncadd.s32 $0xFFFFD000  }
0x29: {  	_ =	swait.ge [sflag:s11], $0x3000  }
0x2a: {  	[sflag:s11] =	ssyncset.done $0x0  }
0x2b: {  	[sflag:s11] =	ssyncadd.s32 $0xFFFFD000  }
0x2c: {  	_ =	swait.ge [sflag:s11], $0x3000  }
.Ltmp1:
0x2d: {  	[sflag:s11] =	ssyncset.done $0x0;
	(pc) =	sbr.rel @p0 .LBB2_1-.Ltmp1, $4  }
0x2e: {  	[sflag:s11] =	ssyncadd.s32 $0xFFFFD000  }
0x2f: {  	[hbm4b:s12+s2] =	stream.linear.scatter [tilespmem:s7], [sflag:$0x2], $0x9000, $0x38;
	[tilespmem:$0x9180] =	vst v63  }
0x30: {  	_ =	swait.ge [sflag:s3], $0x9000  }
0x31: {  	[sflag:s3] =	ssyncset.done $0x0  }
.LBB2_2:
0x32: {  	[sflag:s3] =	ssyncadd.s32 $0xFFFF7000  }
0x33: {  	_ =	sfence.sel $0x180000  }
0x34: {  	[bflag:$0x0] =	sbarrier.arrive $0xFFFF  }
0x35: {  	p0 =	sne.s32 s0, $0x0;
	_ =	strace $0x90000047  }
0x36: {  	s0 =	sadd.s32 @!p0 $0x100000, s1;
	[bflag:$0x2] =	sbarrier.arrive $0xFFFF  }
0x37: {  	[sflag:s0] =	ssyncadd.tile.s32 @!p0 $0x1;
	_ =	shalt  }
.Lfunc_end2:
_tile_overlayer_lowered:
.L_overlay_start_2:
0x38: {  	(tag) =	ssettag $0x2  }
0x39: {  	s0 =	rddreg [dreg:$0x0];
	s2 =	stileid.u32  }
0x3a: {  	s1 =	rddreg [dreg:$0x1];
	p0 =	sne.s32 s2, $0x0  }
0x3b: {  	s3 =	rddreg [dreg:$0x2];
	[bflag:$0x3] =	sbarrier.arrive $0xFFFF;
	s2 =	simm.s32 @!p0 $0x1C02  }
0x3c: {  	[timem:s3], [sflag:s2] =	dma.local @!p0 [hbm:s0], s1  }
0x3d: {  	s0 =	simm.s32 @!p0 $0x2  }
0x3e: {  	_ =	swait.ge @!p0 [sflag:s0], s1  }
0x3f: {  	s1 =	ssub.s32 @!p0 $0x0, s1;
	[sflag:s0] =	ssyncset.done @!p0 $0x0  }
0x40: {  	[sflag:s0] =	ssyncadd.s32 @!p0 s1  }
0x41: {  	[bflag:$0x3] =	sbarrier.arrive $0xFFFF  }
0x42: {  	_ =	shalt  }

</sc_bundles>
